<compile_context>
chip_gen: v7x
topology: tpu7x:2x2x1
jax: 0.10.2.dev20260603
libtpu: 0.0.44.dev20260713+nightly
codegen_flags: <defaults>
</compile_context>

<pallas_src>
import functools

import jax
import jax.numpy as jnp
from jax import lax
from jax.experimental import pallas as pl
from jax.experimental.pallas import tpu as pltpu
from jax.experimental.pallas import tpu_sc as plsc

NC = 2
NS = 16
B = 128
FC = 8
NB_RING = 3


@functools.lru_cache(maxsize=None)
def _build_sc_scatter(n, n_acc, nb, e_b, f_h, f_e):
    rz = n_acc // NS

    mesh = plsc.VectorSubcoreMesh(
        core_axis_name="c", subcore_axis_name="s",
        num_cores=NC, num_subcores=NS)

    @functools.partial(
        pl.kernel,
        out_type=(
            jax.ShapeDtypeStruct((n_acc, f_h), jnp.float32),
            jax.ShapeDtypeStruct((n_acc, f_h), jnp.float32),
        ),
        mesh=mesh,
        compiler_params=pltpu.CompilerParams(use_tc_tiling_on_sc=False),
        scratch_types=[
            pltpu.VMEM((nb, B), jnp.int32),
            pltpu.VMEM((nb, B), jnp.int32),
            pltpu.VMEM((NB_RING, B, f_h), jnp.float32),
            pltpu.VMEM_SHARED((n_acc, f_h), jnp.float32),
            pltpu.SemaphoreType.DMA((NB_RING,)),
            pltpu.SemaphoreType.DMA((NB_RING,)),
        ],
    )
    def sc_scatter_x(xh_hbm, row_hbm, col_hbm, z64_hbm,
                     sx0_out, sx1_out,
                     row_v, col_v, xb, sx_sh, gsem, xsem):
        cid = lax.axis_index("c")
        sid = lax.axis_index("s")
        rows = pl.ds(sid * rz, rz)
        pltpu.sync_copy(z64_hbm.at[rows], sx_sh.at[rows])
        pltpu.sync_copy(row_hbm.at[cid, sid], row_v)
        pltpu.sync_copy(col_hbm.at[sid], col_v)
        plsc.subcore_barrier()

        def issue_fetch(j, b):
            pltpu.async_copy(xh_hbm.at[row_v.at[j]], xb.at[b], gsem.at[b])

        issue_fetch(0, 0)
        issue_fetch(1, 1)

        def drain_scatter(j, b):
            pltpu.make_async_copy(
                xb.at[b], sx_sh.at[col_v.at[j]], xsem.at[b]).wait()

        def body(j0, carry):
            for b in range(NB_RING):
                j = j0 * NB_RING + b
                b2 = (b + 2) % NB_RING
                pltpu.make_async_copy(
                    xh_hbm.at[row_v.at[j]], xb.at[b], gsem.at[b]).wait()
                pltpu.async_copy(
                    xb.at[b], sx_sh.at[col_v.at[j]], xsem.at[b], add=True)

                @pl.when(j + 2 < nb)
                def _():
                    @pl.when(j >= 1)
                    def _():
                        drain_scatter(j - 1, b2)

                    issue_fetch(j + 2, b2)

            return carry

        lax.fori_loop(0, nb // NB_RING, body, 0)
        for b in range(NB_RING):
            drain_scatter(nb - NB_RING + b, b)
        plsc.subcore_barrier()
        @pl.when(cid == 0)
        def _():
            pltpu.sync_copy(sx_sh.at[rows], sx0_out.at[rows])

        @pl.when(cid == 1)
        def _():
            pltpu.sync_copy(sx_sh.at[rows], sx1_out.at[rows])

    return sc_scatter_x


@functools.lru_cache(maxsize=None)
def _build_sc_scatter_ea(n_acc, nbe, e_b, f_e):
    rz = n_acc // NS

    mesh = plsc.VectorSubcoreMesh(
        core_axis_name="c", subcore_axis_name="s",
        num_cores=NC, num_subcores=NS)

    @functools.partial(
        pl.kernel,
        out_type=(
            jax.ShapeDtypeStruct((NC, n_acc, f_e), jnp.float32),
            jax.ShapeDtypeStruct((NC, n_acc, FC), jnp.float32),
        ),
        mesh=mesh,
        compiler_params=pltpu.CompilerParams(use_tc_tiling_on_sc=False),
        scratch_types=[
            pltpu.VMEM((nbe, B), jnp.int32),
            pltpu.VMEM((2, B, f_e), jnp.float32),
            pltpu.VMEM((B, FC), jnp.float32),
            pltpu.VMEM_SHARED((n_acc, f_e), jnp.float32),
            pltpu.VMEM_SHARED((n_acc, FC), jnp.float32),
            pltpu.SemaphoreType.DMA((2,)),
            pltpu.SemaphoreType.DMA((2,)),
            pltpu.SemaphoreType.DMA((2,)),
        ],
    )
    def sc_scatter_ea(ea_hbm, col_hbm, ones_hbm, z16_hbm, z8_hbm,
                      se_out, cnt_out,
                      col_v, eb, ob, se_sh, cnt_sh, lsem, esem, osem):
        cid = lax.axis_index("c")
        sid = lax.axis_index("s")
        rows = pl.ds(sid * rz, rz)
        pltpu.sync_copy(z16_hbm.at[rows], se_sh.at[rows])
        pltpu.sync_copy(z8_hbm.at[rows], cnt_sh.at[rows])
        pltpu.sync_copy(ones_hbm, ob)
        pltpu.sync_copy(col_hbm.at[cid, sid], col_v)
        plsc.subcore_barrier()

        wid = cid * NS + sid
        base0 = wid * (nbe * B)

        def is_real(j):
            return base0 + j * B < e_b

        def issue_fetch(j, b):
            @pl.when(is_real(j))
            def _():
                pltpu.async_copy(ea_hbm.at[pl.ds(base0 + j * B, B)],
                                 eb.at[b], lsem.at[b])

        issue_fetch(0, 0)

        def drain_scatters(j, b):
            @pl.when(is_real(j))
            def _():
                pltpu.make_async_copy(
                    eb.at[b], se_sh.at[col_v.at[j]], esem.at[b]).wait()
                pltpu.make_async_copy(
                    ob, cnt_sh.at[col_v.at[j]], osem.at[b]).wait()

        def body(j0, carry):
            for b in range(2):
                j = j0 * 2 + b
                bo = 1 - b

                @pl.when(is_real(j))
                def _():
                    pltpu.make_async_copy(
                        ea_hbm.at[pl.ds(base0 + j * B, B)], eb.at[b],
                        lsem.at[b]).wait()
                    pltpu.async_copy(
                        eb.at[b], se_sh.at[col_v.at[j]], esem.at[b], add=True)
                    pltpu.async_copy(
                        ob, cnt_sh.at[col_v.at[j]], osem.at[b], add=True)

                @pl.when(j + 1 < nbe)
                def _():
                    @pl.when(j >= 1)
                    def _():
                        drain_scatters(j - 1, bo)

                    issue_fetch(j + 1, bo)

            return carry

        lax.fori_loop(0, nbe // 2, body, 0)
        drain_scatters(nbe - 2, 0)
        drain_scatters(nbe - 1, 1)
        plsc.subcore_barrier()
        pltpu.sync_copy(se_sh.at[rows], se_out.at[cid, rows])
        pltpu.sync_copy(cnt_sh.at[rows], cnt_out.at[cid, rows])

    return sc_scatter_ea


def _tc_body(x_ref, sx0_ref, sx1_ref, se_ref, cnt_ref, wtx0_ref, wtx1_ref,
             wte_ref, bt_ref, wb1_ref, wb2_ref, bb_ref, out_ref):
    cnt = (cnt_ref[0] + cnt_ref[1])[:, 0:1]
    se = se_ref[0] + se_ref[1]
    num = (jnp.dot(sx0_ref[...], wtx0_ref[...], preferred_element_type=jnp.float32)
           + jnp.dot(sx1_ref[...], wtx1_ref[...], preferred_element_type=jnp.float32)
           + jnp.dot(se, wte_ref[...], preferred_element_type=jnp.float32)
           + cnt * bt_ref[...])
    mean = num / jnp.maximum(cnt, 1.0)
    z = (jnp.dot(x_ref[...], wb1_ref[...], preferred_element_type=jnp.float32)
         + jnp.dot(mean, wb2_ref[...], preferred_element_type=jnp.float32)
         + bb_ref[...])
    out_ref[...] = jnp.maximum(z, 0.0)


def kernel(x, edge_index, edge_attr, u, batch, W_top, b_top, W_bot, b_bot):
    n, f_x = x.shape
    e, f_e = edge_attr.shape
    f_h = f_x // 2
    h_top = W_top.shape[1]
    h_bot = W_bot.shape[1]

    nb = -(-e // (NS * B))
    nb = -(-nb // NB_RING) * NB_RING
    e_pad = NS * nb * B
    pad = e_pad - e
    n_acc = -(-(n + 1) // (NS * 8)) * (NS * 8)

    pad_ar = jnp.arange(pad, dtype=jnp.int32)
    row_pad = jnp.concatenate([edge_index[0], pad_ar % n])
    row_p = jnp.stack([row_pad, row_pad + n]).reshape(NC, NS, nb, B)
    col_p = jnp.concatenate(
        [edge_index[1], n + pad_ar % (n_acc - n)]).reshape(NS, nb, B)
    e_b = -(-e // B) * B
    ea_p = edge_attr if e_b == e else jnp.pad(edge_attr, ((0, e_b - e), (0, 0)))
    xh = jnp.concatenate([x[:, :f_h], x[:, f_h:]], axis=0)
    ones_b = jnp.ones((B, FC), jnp.float32)
    z64 = jnp.zeros((n_acc, f_h), jnp.float32)
    z16 = jnp.zeros((n_acc, f_e), jnp.float32)
    z8 = jnp.zeros((n_acc, FC), jnp.float32)

    nbe = -(-e_b // (NC * NS * B))
    nbe += nbe % 2
    pad_e = NC * NS * nbe * B - e
    pad_er = jnp.arange(pad_e, dtype=jnp.int32)
    col_e = jnp.concatenate(
        [edge_index[1], n + pad_er % (n_acc - n)]).reshape(NC, NS, nbe, B)

    sc_scatter_x = _build_sc_scatter(n, n_acc, nb, e_b, f_h, f_e)
    sx0, sx1 = sc_scatter_x(xh, row_p, col_p, z64)
    sc_scatter_ea = _build_sc_scatter_ea(n_acc, nbe, e_b, f_e)
    se_sum, cnt_sum = sc_scatter_ea(ea_p, col_e, ones_b, z16, z8)

    blk = 1000
    grid = (n // blk,)
    out = pl.pallas_call(
        _tc_body,
        grid=grid,
        in_specs=[
            pl.BlockSpec((blk, f_x), lambda i: (i, 0)),
            pl.BlockSpec((blk, f_h), lambda i: (i, 0)),
            pl.BlockSpec((blk, f_h), lambda i: (i, 0)),
            pl.BlockSpec((NC, blk, f_e), lambda i: (0, i, 0)),
            pl.BlockSpec((NC, blk, FC), lambda i: (0, i, 0)),
            pl.BlockSpec((f_h, h_top), lambda i: (0, 0)),
            pl.BlockSpec((f_h, h_top), lambda i: (0, 0)),
            pl.BlockSpec((f_e, h_top), lambda i: (0, 0)),
            pl.BlockSpec((1, h_top), lambda i: (0, 0)),
            pl.BlockSpec((f_x, h_bot), lambda i: (0, 0)),
            pl.BlockSpec((h_top, h_bot), lambda i: (0, 0)),
            pl.BlockSpec((1, h_bot), lambda i: (0, 0)),
        ],
        out_specs=pl.BlockSpec((blk, h_bot), lambda i: (i, 0)),
        out_shape=jax.ShapeDtypeStruct((n, h_bot), jnp.float32),
    )(x, sx0, sx1, se_sum, cnt_sum,
      W_top[:f_h], W_top[f_h:f_x], W_top[f_x:], b_top[None, :],
      W_bot[:f_x], W_bot[f_x:], b_bot[None, :])
    return out

# --- scband reference (transcript-rebuilt; emitter-appended) ---
"""Pipeline reference for scband-node-model-48636209660178 (READ-ONLY COPY).

The authoritative reference and input builder live on the scoring server;
editing this copy changes nothing except your own understanding.
"""

import jax, jax.numpy as jnp
import numpy as np

N_NODES = 10000
N_EDGES = 320000
F_X = 128
F_E = 16
H_TOP = 128
H_BOT = 128


def setup_inputs(seed: int = 0):
    key = jax.random.key(seed)
    ks = jax.random.split(key, 8)
    x = jax.random.normal(ks[0], (N_NODES, F_X), dtype=jnp.float32)
    edge_index = jax.random.randint(ks[1], (2, N_EDGES), 0, N_NODES, dtype=jnp.int32)
    edge_attr = jax.random.normal(ks[2], (N_EDGES, F_E), dtype=jnp.float32)
    u = jnp.ones((3,), dtype=jnp.int32)
    batch = jnp.zeros((N_NODES,), dtype=jnp.int32)
    W_top = jax.random.normal(ks[3], (F_X + F_E, H_TOP), dtype=jnp.float32) * (1.0 / np.sqrt(F_X + F_E))
    b_top = jnp.zeros((H_TOP,), dtype=jnp.float32)
    W_bot = jax.random.normal(ks[4], (F_X + H_TOP, H_BOT), dtype=jnp.float32) * (1.0 / np.sqrt(F_X + H_TOP))
    b_bot = jnp.zeros((H_BOT,), dtype=jnp.float32)
    return {"x": x, "edge_index": edge_index, "edge_attr": edge_attr, "u": u, "batch": batch,
            "W_top": W_top, "b_top": b_top, "W_bot": W_bot, "b_bot": b_bot}


def reference(x, edge_index, edge_attr, u, batch, W_top, b_top, W_bot, b_bot):
    # top pipe: per-edge message = cat(x[row], edge_attr) -> Linear (midway=True)
    row = edge_index[0]
    col = edge_index[1]
    msg = jnp.concatenate([jnp.take(x, row, axis=0), edge_attr], axis=1)  # [E, F_X+F_E]
    h = msg @ W_top + b_top  # [E, H_TOP]
    # scatter_mean over destination nodes (col), dim_size = N_NODES
    agg = jax.ops.segment_sum(h, col, num_segments=N_NODES)
    cnt = jax.ops.segment_sum(jnp.ones((N_EDGES,), dtype=jnp.float32), col, num_segments=N_NODES)
    mean = agg / jnp.clip(cnt, 1.0, None)[:, None]
    # midway concat with node features x
    z = jnp.concatenate([x, mean], axis=1)  # [N, F_X+H_TOP]
    # bottom pipe: Linear -> ReLU
    out = jnp.maximum(z @ W_bot + b_bot, 0.0)  # [N, H_BOT]
    return out

if __name__ == "__main__":
    import jax
    _d = setup_inputs()
    print(jax.jit(kernel)(*tuple(_d.values())))

</pallas_src>

<mosaic_0001>
#map = affine_map<(d0, d1) -> (0, 0)>
#map1 = affine_map<(d0, d1) -> (0, 0, 0, 0)>
#map2 = affine_map<(d0, d1) -> (0, 0, 0)>
module attributes {stable_mosaic.version = 14 : i64} {
  func.func @sc_scatter_ea(%arg0: i32, %arg1: i32, %arg2: memref<320000x16xf32, #tpu.memory_space<hbm>>, %arg3: memref<2x16x80x128xi32, #tpu.memory_space<hbm>>, %arg4: memref<128x8xf32, #tpu.memory_space<hbm>>, %arg5: memref<10112x16xf32, #tpu.memory_space<hbm>>, %arg6: memref<10112x8xf32, #tpu.memory_space<hbm>>, %arg7: memref<2x10112x16xf32, #tpu.memory_space<hbm>>, %arg8: memref<2x10112x8xf32, #tpu.memory_space<hbm>>, %arg9: memref<80x128xi32, #tpu.memory_space<vmem>>, %arg10: memref<2x128x16xf32, #tpu.memory_space<vmem>>, %arg11: memref<128x8xf32, #tpu.memory_space<vmem>>, %arg12: memref<10112x16xf32, #tpu.memory_space<vmem_shared>>, %arg13: memref<10112x8xf32, #tpu.memory_space<vmem_shared>>, %arg14: memref<2x!tpu.dma_semaphore, #tpu.memory_space<semaphore_mem>>, %arg15: memref<2x!tpu.dma_semaphore, #tpu.memory_space<semaphore_mem>>, %arg16: memref<2x!tpu.dma_semaphore, #tpu.memory_space<semaphore_mem>>) attributes {dimension_semantics = [#tpu.dimension_semantics<core_parallel>, #tpu.dimension_semantics<subcore_parallel>], iteration_bounds = array<i64: 2, 16>, scalar_prefetch = 0 : i64, scratch_operands = 8 : i64, tpu.core_type = #tpu.core_type<sc_vector_subcore>, window_params = [{transform_indices = #map}, {transform_indices = #map1}, {transform_indices = #map}, {transform_indices = #map}, {transform_indices = #map}, {transform_indices = #map2}, {transform_indices = #map2}]} {
    %mul3A = arith.constant 632 : i32
    %mul3A_0 = arith.muli %arg1, %mul3A : i32
    "tpu.region"() ({
      %run_scoped3A = tpu.sem_alloc : memref<!tpu.dma_semaphore, #tpu.memory_space<semaphore_mem>>
      %dma_start3A = arith.constant 0 : i32
      %dma_start3A_29 = tpu.memref_slice %arg12[%mul3A_0, %dma_start3A] : memref<10112x16xf32, #tpu.memory_space<vmem_shared>> -> memref<632x16xf32, #tpu.memory_space<vmem_shared>>
      %dma_start3A_30 = arith.constant 0 : i32
      %dma_start3A_31 = tpu.memref_slice %arg5[%mul3A_0, %dma_start3A_30] : memref<10112x16xf32, #tpu.memory_space<hbm>> -> memref<632x16xf32, #tpu.memory_space<hbm>>
      tpu.enqueue_dma source(%dma_start3A_31 : memref<632x16xf32, #tpu.memory_space<hbm>>) target(%dma_start3A_29 : memref<632x16xf32, #tpu.memory_space<vmem_shared>>) target_semaphore(%run_scoped3A : memref<!tpu.dma_semaphore, #tpu.memory_space<semaphore_mem>>)
      %dma_wait3A = arith.constant 0 : i32
      %dma_wait3A_32 = tpu.memref_slice %arg12[%mul3A_0, %dma_wait3A] : memref<10112x16xf32, #tpu.memory_space<vmem_shared>> -> memref<632x16xf32, #tpu.memory_space<vmem_shared>>
      %dma_wait3A_33 = arith.constant 0 : i32
      %dma_wait3A_34 = tpu.memref_slice %arg5[%mul3A_0, %dma_wait3A_33] : memref<10112x16xf32, #tpu.memory_space<hbm>> -> memref<632x16xf32, #tpu.memory_space<hbm>>
      tpu.wait_dma2 semaphore(%run_scoped3A : memref<!tpu.dma_semaphore, #tpu.memory_space<semaphore_mem>>) src(%dma_wait3A_34 : memref<632x16xf32, #tpu.memory_space<hbm>>) dst(%dma_wait3A_32 : memref<632x16xf32, #tpu.memory_space<vmem_shared>>)
      tpu.yield
    }) : () -> ()
    "tpu.region"() ({
      %run_scoped3A = tpu.sem_alloc : memref<!tpu.dma_semaphore, #tpu.memory_space<semaphore_mem>>
      %dma_start3A = arith.constant 0 : i32
      %dma_start3A_29 = tpu.memref_slice %arg13[%mul3A_0, %dma_start3A] : memref<10112x8xf32, #tpu.memory_space<vmem_shared>> -> memref<632x8xf32, #tpu.memory_space<vmem_shared>>
      %dma_start3A_30 = arith.constant 0 : i32
      %dma_start3A_31 = tpu.memref_slice %arg6[%mul3A_0, %dma_start3A_30] : memref<10112x8xf32, #tpu.memory_space<hbm>> -> memref<632x8xf32, #tpu.memory_space<hbm>>
      tpu.enqueue_dma source(%dma_start3A_31 : memref<632x8xf32, #tpu.memory_space<hbm>>) target(%dma_start3A_29 : memref<632x8xf32, #tpu.memory_space<vmem_shared>>) target_semaphore(%run_scoped3A : memref<!tpu.dma_semaphore, #tpu.memory_space<semaphore_mem>>)
      %dma_wait3A = arith.constant 0 : i32
      %dma_wait3A_32 = tpu.memref_slice %arg13[%mul3A_0, %dma_wait3A] : memref<10112x8xf32, #tpu.memory_space<vmem_shared>> -> memref<632x8xf32, #tpu.memory_space<vmem_shared>>
      %dma_wait3A_33 = arith.constant 0 : i32
      %dma_wait3A_34 = tpu.memref_slice %arg6[%mul3A_0, %dma_wait3A_33] : memref<10112x8xf32, #tpu.memory_space<hbm>> -> memref<632x8xf32, #tpu.memory_space<hbm>>
      tpu.wait_dma2 semaphore(%run_scoped3A : memref<!tpu.dma_semaphore, #tpu.memory_space<semaphore_mem>>) src(%dma_wait3A_34 : memref<632x8xf32, #tpu.memory_space<hbm>>) dst(%dma_wait3A_32 : memref<632x8xf32, #tpu.memory_space<vmem_shared>>)
      tpu.yield
    }) : () -> ()
    "tpu.region"() ({
      %run_scoped3A = tpu.sem_alloc : memref<!tpu.dma_semaphore, #tpu.memory_space<semaphore_mem>>
      tpu.enqueue_dma source(%arg4 : memref<128x8xf32, #tpu.memory_space<hbm>>) target(%arg11 : memref<128x8xf32, #tpu.memory_space<vmem>>) target_semaphore(%run_scoped3A : memref<!tpu.dma_semaphore, #tpu.memory_space<semaphore_mem>>)
      tpu.wait_dma2 semaphore(%run_scoped3A : memref<!tpu.dma_semaphore, #tpu.memory_space<semaphore_mem>>) src(%arg4 : memref<128x8xf32, #tpu.memory_space<hbm>>) dst(%arg11 : memref<128x8xf32, #tpu.memory_space<vmem>>)
      tpu.yield
    }) : () -> ()
    "tpu.region"() ({
      %run_scoped3A = tpu.sem_alloc : memref<!tpu.dma_semaphore, #tpu.memory_space<semaphore_mem>>
      %dma_start3A = arith.constant 0 : i32
      %dma_start3A_29 = arith.constant 0 : i32
      %dma_start3A_30 = tpu.memref_slice %arg3[%arg0, %arg1, %dma_start3A, %dma_start3A_29] : memref<2x16x80x128xi32, #tpu.memory_space<hbm>> -> memref<1x1x80x128xi32, #tpu.memory_space<hbm>>
      %dma_start3A_31 = tpu.memref_squeeze %dma_start3A_30 : memref<1x1x80x128xi32, #tpu.memory_space<hbm>> -> memref<80x128xi32, #tpu.memory_space<hbm>>
      %dma_start3A_32 = arith.constant 0 : i32
      %dma_start3A_33 = arith.constant 0 : i32
      %dma_start3A_34 = tpu.memref_slice %arg3[%arg0, %arg1, %dma_start3A_32, %dma_start3A_33] : memref<2x16x80x128xi32, #tpu.memory_space<hbm>> -> memref<1x1x80x128xi32, #tpu.memory_space<hbm>>
      %dma_start3A_35 = tpu.memref_squeeze %dma_start3A_34 : memref<1x1x80x128xi32, #tpu.memory_space<hbm>> -> memref<80x128xi32, #tpu.memory_space<hbm>>
      tpu.enqueue_dma source(%dma_start3A_35 : memref<80x128xi32, #tpu.memory_space<hbm>>) target(%arg9 : memref<80x128xi32, #tpu.memory_space<vmem>>) target_semaphore(%run_scoped3A : memref<!tpu.dma_semaphore, #tpu.memory_space<semaphore_mem>>)
      %dma_wait3A = arith.constant 0 : i32
      %dma_wait3A_36 = arith.constant 0 : i32
      %dma_wait3A_37 = tpu.memref_slice %arg3[%arg0, %arg1, %dma_wait3A, %dma_wait3A_36] : memref<2x16x80x128xi32, #tpu.memory_space<hbm>> -> memref<1x1x80x128xi32, #tpu.memory_space<hbm>>
      %dma_wait3A_38 = tpu.memref_squeeze %dma_wait3A_37 : memref<1x1x80x128xi32, #tpu.memory_space<hbm>> -> memref<80x128xi32, #tpu.memory_space<hbm>>
      %dma_wait3A_39 = arith.constant 0 : i32
      %dma_wait3A_40 = arith.constant 0 : i32
      %dma_wait3A_41 = tpu.memref_slice %arg3[%arg0, %arg1, %dma_wait3A_39, %dma_wait3A_40] : memref<2x16x80x128xi32, #tpu.memory_space<hbm>> -> memref<1x1x80x128xi32, #tpu.memory_space<hbm>>
      %dma_wait3A_42 = tpu.memref_squeeze %dma_wait3A_41 : memref<1x1x80x128xi32, #tpu.memory_space<hbm>> -> memref<80x128xi32, #tpu.memory_space<hbm>>
      tpu.wait_dma2 semaphore(%run_scoped3A : memref<!tpu.dma_semaphore, #tpu.memory_space<semaphore_mem>>) src(%dma_wait3A_42 : memref<80x128xi32, #tpu.memory_space<hbm>>) dst(%arg9 : memref<80x128xi32, #tpu.memory_space<vmem>>)
      tpu.yield
    }) : () -> ()
    %barrier3A = arith.constant 0 : index
    tpu.barrier barrier_id(%barrier3A)
    %mul3A_1 = arith.constant 16 : i32
    %mul3A_2 = arith.muli %arg0, %mul3A_1 : i32
    %add3A = arith.addi %mul3A_2, %arg1 : i32
    %mul3A_3 = arith.constant 10240 : i32
    %mul3A_4 = arith.muli %add3A, %mul3A_3 : i32
    %add3A_5 = arith.constant 0 : i32
    %add3A_6 = arith.addi %mul3A_4, %add3A_5 : i32
    %lt3A = arith.constant 320000 : i32
    %lt3A_7 = arith.cmpi slt, %add3A_6, %lt3A : i32
    %convert_element_type3A = arith.extui %lt3A_7 : i1 to i32
    %cond3A = arith.constant 0 : i32
    %cond3A_8 = arith.cmpi ne, %convert_element_type3A, %cond3A : i32
    scf.if %cond3A_8 {
      %add3A_29 = arith.constant 0 : i32
      %add3A_30 = arith.addi %mul3A_4, %add3A_29 : i32
      %dma_start3A = arith.constant 0 : i32
      %dma_start3A_31 = arith.constant 0 : i32
      %dma_start3A_32 = arith.constant 0 : i32
      %dma_start3A_33 = arith.constant 0 : i32
      %dma_start3A_34 = tpu.memref_slice %arg10[%dma_start3A, %dma_start3A_32, %dma_start3A_33] : memref<2x128x16xf32, #tpu.memory_space<vmem>> -> memref<1x128x16xf32, #tpu.memory_space<vmem>>
      %dma_start3A_35 = tpu.memref_squeeze %dma_start3A_34 : memref<1x128x16xf32, #tpu.memory_space<vmem>> -> memref<128x16xf32, #tpu.memory_space<vmem>>
      %dma_start3A_36 = arith.constant 0 : i32
      %dma_start3A_37 = tpu.memref_slice %arg2[%add3A_30, %dma_start3A_36] : memref<320000x16xf32, #tpu.memory_space<hbm>> -> memref<128x16xf32, #tpu.memory_space<hbm>>
      %dma_start3A_38 = tpu.memref_slice %arg14[%dma_start3A_31] : memref<2x!tpu.dma_semaphore, #tpu.memory_space<semaphore_mem>> -> memref<1x!tpu.dma_semaphore, #tpu.memory_space<semaphore_mem>>
      %dma_start3A_39 = tpu.memref_squeeze %dma_start3A_38 : memref<1x!tpu.dma_semaphore, #tpu.memory_space<semaphore_mem>> -> memref<!tpu.dma_semaphore, #tpu.memory_space<semaphore_mem>>
      %dma_start3A_40 = arith.constant 0 : i32
      %dma_start3A_41 = arith.constant 0 : i32
      %dma_start3A_42 = tpu.memref_slice %arg10[%dma_start3A, %dma_start3A_40, %dma_start3A_41] : memref<2x128x16xf32, #tpu.memory_space<vmem>> -> memref<1x128x16xf32, #tpu.memory_space<vmem>>
      %dma_start3A_43 = tpu.memref_squeeze %dma_start3A_42 : memref<1x128x16xf32, #tpu.memory_space<vmem>> -> memref<128x16xf32, #tpu.memory_space<vmem>>
      %dma_start3A_44 = arith.constant 0 : i32
      %dma_start3A_45 = tpu.memref_slice %arg2[%add3A_30, %dma_start3A_44] : memref<320000x16xf32, #tpu.memory_space<hbm>> -> memref<128x16xf32, #tpu.memory_space<hbm>>
      tpu.enqueue_dma source(%dma_start3A_45 : memref<128x16xf32, #tpu.memory_space<hbm>>) target(%dma_start3A_43 : memref<128x16xf32, #tpu.memory_space<vmem>>) target_semaphore(%dma_start3A_39 : memref<!tpu.dma_semaphore, #tpu.memory_space<semaphore_mem>>)
    } else {
    }
    %scan3A = arith.constant 0 : i32
    %scan3A_9 = arith.constant 0 : i32
    %scan3A_10 = arith.constant 40 : i32
    %scan3A_11 = arith.addi %scan3A_9, %scan3A_10 : i32
    %scan3A_12 = arith.constant 1 : i32
    scf.for %scan3A_29 = %scan3A_9 to %scan3A_11 step %scan3A_12  : i32 {
      %mul3A_30 = arith.constant 2 : i32
      %mul3A_31 = arith.muli %scan3A_29, %mul3A_30 : i32
      %add3A_32 = arith.constant 0 : i32
      %add3A_33 = arith.addi %mul3A_31, %add3A_32 : i32
      %mul3A_34 = arith.constant 128 : i32
      %mul3A_35 = arith.muli %add3A_33, %mul3A_34 : i32
      %add3A_36 = arith.addi %mul3A_4, %mul3A_35 : i32
      %lt3A_37 = arith.constant 320000 : i32
      %lt3A_38 = arith.cmpi slt, %add3A_36, %lt3A_37 : i32
      %convert_element_type3A_39 = arith.extui %lt3A_38 : i1 to i32
      %cond3A_40 = arith.constant 0 : i32
      %cond3A_41 = arith.cmpi ne, %convert_element_type3A_39, %cond3A_40 : i32
      scf.if %cond3A_41 {
        %mul3A_68 = arith.constant 128 : i32
        %mul3A_69 = arith.muli %add3A_33, %mul3A_68 : i32
        %add3A_70 = arith.addi %mul3A_4, %mul3A_69 : i32
        %dma_wait3A = arith.constant 0 : i32
        %dma_wait3A_71 = arith.constant 0 : i32
        %dma_wait3A_72 = arith.constant 0 : i32
        %dma_wait3A_73 = arith.constant 0 : i32
        %dma_wait3A_74 = tpu.memref_slice %arg10[%dma_wait3A, %dma_wait3A_72, %dma_wait3A_73] : memref<2x128x16xf32, #tpu.memory_space<vmem>> -> memref<1x128x16xf32, #tpu.memory_space<vmem>>
        %dma_wait3A_75 = tpu.memref_squeeze %dma_wait3A_74 : memref<1x128x16xf32, #tpu.memory_space<vmem>> -> memref<128x16xf32, #tpu.memory_space<vmem>>
        %dma_wait3A_76 = arith.constant 0 : i32
        %dma_wait3A_77 = tpu.memref_slice %arg2[%add3A_70, %dma_wait3A_76] : memref<320000x16xf32, #tpu.memory_space<hbm>> -> memref<128x16xf32, #tpu.memory_space<hbm>>
        %dma_wait3A_78 = tpu.memref_slice %arg14[%dma_wait3A_71] : memref<2x!tpu.dma_semaphore, #tpu.memory_space<semaphore_mem>> -> memref<1x!tpu.dma_semaphore, #tpu.memory_space<semaphore_mem>>
        %dma_wait3A_79 = tpu.memref_squeeze %dma_wait3A_78 : memref<1x!tpu.dma_semaphore, #tpu.memory_space<semaphore_mem>> -> memref<!tpu.dma_semaphore, #tpu.memory_space<semaphore_mem>>
        %dma_wait3A_80 = arith.constant 0 : i32
        %dma_wait3A_81 = arith.constant 0 : i32
        %dma_wait3A_82 = tpu.memref_slice %arg10[%dma_wait3A, %dma_wait3A_80, %dma_wait3A_81] : memref<2x128x16xf32, #tpu.memory_space<vmem>> -> memref<1x128x16xf32, #tpu.memory_space<vmem>>
        %dma_wait3A_83 = tpu.memref_squeeze %dma_wait3A_82 : memref<1x128x16xf32, #tpu.memory_space<vmem>> -> memref<128x16xf32, #tpu.memory_space<vmem>>
        %dma_wait3A_84 = arith.constant 0 : i32
        %dma_wait3A_85 = tpu.memref_slice %arg2[%add3A_70, %dma_wait3A_84] : memref<320000x16xf32, #tpu.memory_space<hbm>> -> memref<128x16xf32, #tpu.memory_space<hbm>>
        tpu.wait_dma2 semaphore(%dma_wait3A_79 : memref<!tpu.dma_semaphore, #tpu.memory_space<semaphore_mem>>) src(%dma_wait3A_85 : memref<128x16xf32, #tpu.memory_space<hbm>>) dst(%dma_wait3A_83 : memref<128x16xf32, #tpu.memory_space<vmem>>)
        %dma_start3A = arith.constant 0 : i32
        %dma_start3A_86 = arith.constant 0 : i32
        %dma_start3A_87 = arith.constant 0 : i32
        %dma_start3A_88 = arith.constant 0 : i32
        %dma_start3A_89 = tpu.memref_slice %arg10[%dma_start3A, %dma_start3A_87, %dma_start3A_88] : memref<2x128x16xf32, #tpu.memory_space<vmem>> -> memref<1x128x16xf32, #tpu.memory_space<vmem>>
        %dma_start3A_90 = tpu.memref_squeeze %dma_start3A_89 : memref<1x128x16xf32, #tpu.memory_space<vmem>> -> memref<128x16xf32, #tpu.memory_space<vmem>>
        %dma_start3A_91 = arith.constant 0 : i32
        %dma_start3A_92 = tpu.memref_slice %arg9[%add3A_33, %dma_start3A_91] : memref<80x128xi32, #tpu.memory_space<vmem>> -> memref<1x128xi32, #tpu.memory_space<vmem>>
        %dma_start3A_93 = tpu.memref_squeeze %dma_start3A_92 : memref<1x128xi32, #tpu.memory_space<vmem>> -> memref<128xi32, #tpu.memory_space<vmem>>
        %dma_start3A_94 = arith.constant 0 : i32
        %dma_start3A_95 = arith.constant 0 : i32
        %dma_start3A_96 = tpu.memref_slice %arg12[%dma_start3A_94, %dma_start3A_95] : memref<10112x16xf32, #tpu.memory_space<vmem_shared>> -> memref<10112x16xf32, #tpu.memory_space<vmem_shared>>
        %dma_start3A_97 = tpu.memref_slice %arg15[%dma_start3A_86] : memref<2x!tpu.dma_semaphore, #tpu.memory_space<semaphore_mem>> -> memref<1x!tpu.dma_semaphore, #tpu.memory_space<semaphore_mem>>
        %dma_start3A_98 = tpu.memref_squeeze %dma_start3A_97 : memref<1x!tpu.dma_semaphore, #tpu.memory_space<semaphore_mem>> -> memref<!tpu.dma_semaphore, #tpu.memory_space<semaphore_mem>>
        tpu.enqueue_indirect_dma source(%dma_start3A_90 : memref<128x16xf32, #tpu.memory_space<vmem>>) target(%dma_start3A_96 : memref<10112x16xf32, #tpu.memory_space<vmem_shared>>) offsets(%dma_start3A_93 : memref<128xi32, #tpu.memory_space<vmem>>) semaphore(%dma_start3A_98 : memref<!tpu.dma_semaphore, #tpu.memory_space<semaphore_mem>>) {add = true}
        %dma_start3A_99 = arith.constant 0 : i32
        %dma_start3A_100 = arith.constant 0 : i32
        %dma_start3A_101 = tpu.memref_slice %arg9[%add3A_33, %dma_start3A_100] : memref<80x128xi32, #tpu.memory_space<vmem>> -> memref<1x128xi32, #tpu.memory_space<vmem>>
        %dma_start3A_102 = tpu.memref_squeeze %dma_start3A_101 : memref<1x128xi32, #tpu.memory_space<vmem>> -> memref<128xi32, #tpu.memory_space<vmem>>
        %dma_start3A_103 = arith.constant 0 : i32
        %dma_start3A_104 = arith.constant 0 : i32
        %dma_start3A_105 = tpu.memref_slice %arg13[%dma_start3A_103, %dma_start3A_104] : memref<10112x8xf32, #tpu.memory_space<vmem_shared>> -> memref<10112x8xf32, #tpu.memory_space<vmem_shared>>
        %dma_start3A_106 = tpu.memref_slice %arg16[%dma_start3A_99] : memref<2x!tpu.dma_semaphore, #tpu.memory_space<semaphore_mem>> -> memref<1x!tpu.dma_semaphore, #tpu.memory_space<semaphore_mem>>
        %dma_start3A_107 = tpu.memref_squeeze %dma_start3A_106 : memref<1x!tpu.dma_semaphore, #tpu.memory_space<semaphore_mem>> -> memref<!tpu.dma_semaphore, #tpu.memory_space<semaphore_mem>>
        tpu.enqueue_indirect_dma source(%arg11 : memref<128x8xf32, #tpu.memory_space<vmem>>) target(%dma_start3A_105 : memref<10112x8xf32, #tpu.memory_space<vmem_shared>>) offsets(%dma_start3A_102 : memref<128xi32, #tpu.memory_space<vmem>>) semaphore(%dma_start3A_107 : memref<!tpu.dma_semaphore, #tpu.memory_space<semaphore_mem>>) {add = true}
      } else {
      }
      %add3A_42 = arith.constant 1 : i32
      %add3A_43 = arith.addi %add3A_33, %add3A_42 : i32
      %lt3A_44 = arith.constant 80 : i32
      %lt3A_45 = arith.cmpi slt, %add3A_43, %lt3A_44 : i32
      %convert_element_type3A_46 = arith.extui %lt3A_45 : i1 to i32
      %cond3A_47 = arith.constant 0 : i32
      %cond3A_48 = arith.cmpi ne, %convert_element_type3A_46, %cond3A_47 : i32
      scf.if %cond3A_48 {
        %ge3A = arith.constant 1 : i32
        %ge3A_68 = arith.cmpi sge, %add3A_33, %ge3A : i32
        %convert_element_type3A_69 = arith.extui %ge3A_68 : i1 to i32
        %cond3A_70 = arith.constant 0 : i32
        %cond3A_71 = arith.cmpi ne, %convert_element_type3A_69, %cond3A_70 : i32
        scf.if %cond3A_71 {
          %sub3A = arith.constant 1 : i32
          %sub3A_82 = arith.subi %add3A_33, %sub3A : i32
          %mul3A_83 = arith.constant 128 : i32
          %mul3A_84 = arith.muli %sub3A_82, %mul3A_83 : i32
          %add3A_85 = arith.addi %mul3A_4, %mul3A_84 : i32
          %lt3A_86 = arith.constant 320000 : i32
          %lt3A_87 = arith.cmpi slt, %add3A_85, %lt3A_86 : i32
          %convert_element_type3A_88 = arith.extui %lt3A_87 : i1 to i32
          %cond3A_89 = arith.constant 0 : i32
          %cond3A_90 = arith.cmpi ne, %convert_element_type3A_88, %cond3A_89 : i32
          scf.if %cond3A_90 {
            %dma_wait3A = arith.constant 1 : i32
            %dma_wait3A_91 = arith.constant 1 : i32
            %dma_wait3A_92 = arith.constant 0 : i32
            %dma_wait3A_93 = arith.constant 0 : i32
            %dma_wait3A_94 = tpu.memref_slice %arg10[%dma_wait3A, %dma_wait3A_92, %dma_wait3A_93] : memref<2x128x16xf32, #tpu.memory_space<vmem>> -> memref<1x128x16xf32, #tpu.memory_space<vmem>>
            %dma_wait3A_95 = tpu.memref_squeeze %dma_wait3A_94 : memref<1x128x16xf32, #tpu.memory_space<vmem>> -> memref<128x16xf32, #tpu.memory_space<vmem>>
            %dma_wait3A_96 = arith.constant 0 : i32
            %dma_wait3A_97 = tpu.memref_slice %arg9[%sub3A_82, %dma_wait3A_96] : memref<80x128xi32, #tpu.memory_space<vmem>> -> memref<1x128xi32, #tpu.memory_space<vmem>>
            %dma_wait3A_98 = tpu.memref_squeeze %dma_wait3A_97 : memref<1x128xi32, #tpu.memory_space<vmem>> -> memref<128xi32, #tpu.memory_space<vmem>>
            %dma_wait3A_99 = arith.constant 0 : i32
            %dma_wait3A_100 = arith.constant 0 : i32
            %dma_wait3A_101 = tpu.memref_slice %arg12[%dma_wait3A_99, %dma_wait3A_100] : memref<10112x16xf32, #tpu.memory_space<vmem_shared>> -> memref<10112x16xf32, #tpu.memory_space<vmem_shared>>
            %dma_wait3A_102 = tpu.memref_slice %arg15[%dma_wait3A_91] : memref<2x!tpu.dma_semaphore, #tpu.memory_space<semaphore_mem>> -> memref<1x!tpu.dma_semaphore, #tpu.memory_space<semaphore_mem>>
            %dma_wait3A_103 = tpu.memref_squeeze %dma_wait3A_102 : memref<1x!tpu.dma_semaphore, #tpu.memory_space<semaphore_mem>> -> memref<!tpu.dma_semaphore, #tpu.memory_space<semaphore_mem>>
            tpu.wait_indirect_dma semaphore(%dma_wait3A_103 : memref<!tpu.dma_semaphore, #tpu.memory_space<semaphore_mem>>) src(%dma_wait3A_95 : memref<128x16xf32, #tpu.memory_space<vmem>>) dst(%dma_wait3A_101 : memref<10112x16xf32, #tpu.memory_space<vmem_shared>>)
            %dma_wait3A_104 = arith.constant 1 : i32
            %dma_wait3A_105 = arith.constant 0 : i32
            %dma_wait3A_106 = tpu.memref_slice %arg9[%sub3A_82, %dma_wait3A_105] : memref<80x128xi32, #tpu.memory_space<vmem>> -> memref<1x128xi32, #tpu.memory_space<vmem>>
            %dma_wait3A_107 = tpu.memref_squeeze %dma_wait3A_106 : memref<1x128xi32, #tpu.memory_space<vmem>> -> memref<128xi32, #tpu.memory_space<vmem>>
            %dma_wait3A_108 = arith.constant 0 : i32
            %dma_wait3A_109 = arith.constant 0 : i32
            %dma_wait3A_110 = tpu.memref_slice %arg13[%dma_wait3A_108, %dma_wait3A_109] : memref<10112x8xf32, #tpu.memory_space<vmem_shared>> -> memref<10112x8xf32, #tpu.memory_space<vmem_shared>>
            %dma_wait3A_111 = tpu.memref_slice %arg16[%dma_wait3A_104] : memref<2x!tpu.dma_semaphore, #tpu.memory_space<semaphore_mem>> -> memref<1x!tpu.dma_semaphore, #tpu.memory_space<semaphore_mem>>
            %dma_wait3A_112 = tpu.memref_squeeze %dma_wait3A_111 : memref<1x!tpu.dma_semaphore, #tpu.memory_space<semaphore_mem>> -> memref<!tpu.dma_semaphore, #tpu.memory_space<semaphore_mem>>
            tpu.wait_indirect_dma semaphore(%dma_wait3A_112 : memref<!tpu.dma_semaphore, #tpu.memory_space<semaphore_mem>>) src(%arg11 : memref<128x8xf32, #tpu.memory_space<vmem>>) dst(%dma_wait3A_110 : memref<10112x8xf32, #tpu.memory_space<vmem_shared>>)
          } else {
          }
        } else {
        }
        %add3A_72 = arith.constant 1 : i32
        %add3A_73 = arith.addi %add3A_33, %add3A_72 : i32
        %mul3A_74 = arith.constant 128 : i32
        %mul3A_75 = arith.muli %add3A_73, %mul3A_74 : i32
        %add3A_76 = arith.addi %mul3A_4, %mul3A_75 : i32
        %lt3A_77 = arith.constant 320000 : i32
        %lt3A_78 = arith.cmpi slt, %add3A_76, %lt3A_77 : i32
        %convert_element_type3A_79 = arith.extui %lt3A_78 : i1 to i32
        %cond3A_80 = arith.constant 0 : i32
        %cond3A_81 = arith.cmpi ne, %convert_element_type3A_79, %cond3A_80 : i32
        scf.if %cond3A_81 {
          %mul3A_82 = arith.constant 128 : i32
          %mul3A_83 = arith.muli %add3A_73, %mul3A_82 : i32
          %add3A_84 = arith.addi %mul3A_4, %mul3A_83 : i32
          %dma_start3A = arith.constant 1 : i32
          %dma_start3A_85 = arith.constant 1 : i32
          %dma_start3A_86 = arith.constant 0 : i32
          %dma_start3A_87 = arith.constant 0 : i32
          %dma_start3A_88 = tpu.memref_slice %arg10[%dma_start3A, %dma_start3A_86, %dma_start3A_87] : memref<2x128x16xf32, #tpu.memory_space<vmem>> -> memref<1x128x16xf32, #tpu.memory_space<vmem>>
          %dma_start3A_89 = tpu.memref_squeeze %dma_start3A_88 : memref<1x128x16xf32, #tpu.memory_space<vmem>> -> memref<128x16xf32, #tpu.memory_space<vmem>>
          %dma_start3A_90 = arith.constant 0 : i32
          %dma_start3A_91 = tpu.memref_slice %arg2[%add3A_84, %dma_start3A_90] : memref<320000x16xf32, #tpu.memory_space<hbm>> -> memref<128x16xf32, #tpu.memory_space<hbm>>
          %dma_start3A_92 = tpu.memref_slice %arg14[%dma_start3A_85] : memref<2x!tpu.dma_semaphore, #tpu.memory_space<semaphore_mem>> -> memref<1x!tpu.dma_semaphore, #tpu.memory_space<semaphore_mem>>
          %dma_start3A_93 = tpu.memref_squeeze %dma_start3A_92 : memref<1x!tpu.dma_semaphore, #tpu.memory_space<semaphore_mem>> -> memref<!tpu.dma_semaphore, #tpu.memory_space<semaphore_mem>>
          %dma_start3A_94 = arith.constant 0 : i32
          %dma_start3A_95 = arith.constant 0 : i32
          %dma_start3A_96 = tpu.memref_slice %arg10[%dma_start3A, %dma_start3A_94, %dma_start3A_95] : memref<2x128x16xf32, #tpu.memory_space<vmem>> -> memref<1x128x16xf32, #tpu.memory_space<vmem>>
          %dma_start3A_97 = tpu.memref_squeeze %dma_start3A_96 : memref<1x128x16xf32, #tpu.memory_space<vmem>> -> memref<128x16xf32, #tpu.memory_space<vmem>>
          %dma_start3A_98 = arith.constant 0 : i32
          %dma_start3A_99 = tpu.memref_slice %arg2[%add3A_84, %dma_start3A_98] : memref<320000x16xf32, #tpu.memory_space<hbm>> -> memref<128x16xf32, #tpu.memory_space<hbm>>
          tpu.enqueue_dma source(%dma_start3A_99 : memref<128x16xf32, #tpu.memory_space<hbm>>) target(%dma_start3A_97 : memref<128x16xf32, #tpu.memory_space<vmem>>) target_semaphore(%dma_start3A_93 : memref<!tpu.dma_semaphore, #tpu.memory_space<semaphore_mem>>)
        } else {
        }
      } else {
      }
      %mul3A_49 = arith.constant 2 : i32
      %mul3A_50 = arith.muli %scan3A_29, %mul3A_49 : i32
      %add3A_51 = arith.constant 1 : i32
      %add3A_52 = arith.addi %mul3A_50, %add3A_51 : i32
      %mul3A_53 = arith.constant 128 : i32
      %mul3A_54 = arith.muli %add3A_52, %mul3A_53 : i32
      %add3A_55 = arith.addi %mul3A_4, %mul3A_54 : i32
      %lt3A_56 = arith.constant 320000 : i32
      %lt3A_57 = arith.cmpi slt, %add3A_55, %lt3A_56 : i32
      %convert_element_type3A_58 = arith.extui %lt3A_57 : i1 to i32
      %cond3A_59 = arith.constant 0 : i32
      %cond3A_60 = arith.cmpi ne, %convert_element_type3A_58, %cond3A_59 : i32
      scf.if %cond3A_60 {
        %mul3A_68 = arith.constant 128 : i32
        %mul3A_69 = arith.muli %add3A_52, %mul3A_68 : i32
        %add3A_70 = arith.addi %mul3A_4, %mul3A_69 : i32
        %dma_wait3A = arith.constant 1 : i32
        %dma_wait3A_71 = arith.constant 1 : i32
        %dma_wait3A_72 = arith.constant 0 : i32
        %dma_wait3A_73 = arith.constant 0 : i32
        %dma_wait3A_74 = tpu.memref_slice %arg10[%dma_wait3A, %dma_wait3A_72, %dma_wait3A_73] : memref<2x128x16xf32, #tpu.memory_space<vmem>> -> memref<1x128x16xf32, #tpu.memory_space<vmem>>
        %dma_wait3A_75 = tpu.memref_squeeze %dma_wait3A_74 : memref<1x128x16xf32, #tpu.memory_space<vmem>> -> memref<128x16xf32, #tpu.memory_space<vmem>>
        %dma_wait3A_76 = arith.constant 0 : i32
        %dma_wait3A_77 = tpu.memref_slice %arg2[%add3A_70, %dma_wait3A_76] : memref<320000x16xf32, #tpu.memory_space<hbm>> -> memref<128x16xf32, #tpu.memory_space<hbm>>
        %dma_wait3A_78 = tpu.memref_slice %arg14[%dma_wait3A_71] : memref<2x!tpu.dma_semaphore, #tpu.memory_space<semaphore_mem>> -> memref<1x!tpu.dma_semaphore, #tpu.memory_space<semaphore_mem>>
        %dma_wait3A_79 = tpu.memref_squeeze %dma_wait3A_78 : memref<1x!tpu.dma_semaphore, #tpu.memory_space<semaphore_mem>> -> memref<!tpu.dma_semaphore, #tpu.memory_space<semaphore_mem>>
        %dma_wait3A_80 = arith.constant 0 : i32
        %dma_wait3A_81 = arith.constant 0 : i32
        %dma_wait3A_82 = tpu.memref_slice %arg10[%dma_wait3A, %dma_wait3A_80, %dma_wait3A_81] : memref<2x128x16xf32, #tpu.memory_space<vmem>> -> memref<1x128x16xf32, #tpu.memory_space<vmem>>
        %dma_wait3A_83 = tpu.memref_squeeze %dma_wait3A_82 : memref<1x128x16xf32, #tpu.memory_space<vmem>> -> memref<128x16xf32, #tpu.memory_space<vmem>>
        %dma_wait3A_84 = arith.constant 0 : i32
        %dma_wait3A_85 = tpu.memref_slice %arg2[%add3A_70, %dma_wait3A_84] : memref<320000x16xf32, #tpu.memory_space<hbm>> -> memref<128x16xf32, #tpu.memory_space<hbm>>
        tpu.wait_dma2 semaphore(%dma_wait3A_79 : memref<!tpu.dma_semaphore, #tpu.memory_space<semaphore_mem>>) src(%dma_wait3A_85 : memref<128x16xf32, #tpu.memory_space<hbm>>) dst(%dma_wait3A_83 : memref<128x16xf32, #tpu.memory_space<vmem>>)
        %dma_start3A = arith.constant 1 : i32
        %dma_start3A_86 = arith.constant 1 : i32
        %dma_start3A_87 = arith.constant 0 : i32
        %dma_start3A_88 = arith.constant 0 : i32
        %dma_start3A_89 = tpu.memref_slice %arg10[%dma_start3A, %dma_start3A_87, %dma_start3A_88] : memref<2x128x16xf32, #tpu.memory_space<vmem>> -> memref<1x128x16xf32, #tpu.memory_space<vmem>>
        %dma_start3A_90 = tpu.memref_squeeze %dma_start3A_89 : memref<1x128x16xf32, #tpu.memory_space<vmem>> -> memref<128x16xf32, #tpu.memory_space<vmem>>
        %dma_start3A_91 = arith.constant 0 : i32
        %dma_start3A_92 = tpu.memref_slice %arg9[%add3A_52, %dma_start3A_91] : memref<80x128xi32, #tpu.memory_space<vmem>> -> memref<1x128xi32, #tpu.memory_space<vmem>>
        %dma_start3A_93 = tpu.memref_squeeze %dma_start3A_92 : memref<1x128xi32, #tpu.memory_space<vmem>> -> memref<128xi32, #tpu.memory_space<vmem>>
        %dma_start3A_94 = arith.constant 0 : i32
        %dma_start3A_95 = arith.constant 0 : i32
        %dma_start3A_96 = tpu.memref_slice %arg12[%dma_start3A_94, %dma_start3A_95] : memref<10112x16xf32, #tpu.memory_space<vmem_shared>> -> memref<10112x16xf32, #tpu.memory_space<vmem_shared>>
        %dma_start3A_97 = tpu.memref_slice %arg15[%dma_start3A_86] : memref<2x!tpu.dma_semaphore, #tpu.memory_space<semaphore_mem>> -> memref<1x!tpu.dma_semaphore, #tpu.memory_space<semaphore_mem>>
        %dma_start3A_98 = tpu.memref_squeeze %dma_start3A_97 : memref<1x!tpu.dma_semaphore, #tpu.memory_space<semaphore_mem>> -> memref<!tpu.dma_semaphore, #tpu.memory_space<semaphore_mem>>
        tpu.enqueue_indirect_dma source(%dma_start3A_90 : memref<128x16xf32, #tpu.memory_space<vmem>>) target(%dma_start3A_96 : memref<10112x16xf32, #tpu.memory_space<vmem_shared>>) offsets(%dma_start3A_93 : memref<128xi32, #tpu.memory_space<vmem>>) semaphore(%dma_start3A_98 : memref<!tpu.dma_semaphore, #tpu.memory_space<semaphore_mem>>) {add = true}
        %dma_start3A_99 = arith.constant 1 : i32
        %dma_start3A_100 = arith.constant 0 : i32
        %dma_start3A_101 = tpu.memref_slice %arg9[%add3A_52, %dma_start3A_100] : memref<80x128xi32, #tpu.memory_space<vmem>> -> memref<1x128xi32, #tpu.memory_space<vmem>>
        %dma_start3A_102 = tpu.memref_squeeze %dma_start3A_101 : memref<1x128xi32, #tpu.memory_space<vmem>> -> memref<128xi32, #tpu.memory_space<vmem>>
        %dma_start3A_103 = arith.constant 0 : i32
        %dma_start3A_104 = arith.constant 0 : i32
        %dma_start3A_105 = tpu.memref_slice %arg13[%dma_start3A_103, %dma_start3A_104] : memref<10112x8xf32, #tpu.memory_space<vmem_shared>> -> memref<10112x8xf32, #tpu.memory_space<vmem_shared>>
        %dma_start3A_106 = tpu.memref_slice %arg16[%dma_start3A_99] : memref<2x!tpu.dma_semaphore, #tpu.memory_space<semaphore_mem>> -> memref<1x!tpu.dma_semaphore, #tpu.memory_space<semaphore_mem>>
        %dma_start3A_107 = tpu.memref_squeeze %dma_start3A_106 : memref<1x!tpu.dma_semaphore, #tpu.memory_space<semaphore_mem>> -> memref<!tpu.dma_semaphore, #tpu.memory_space<semaphore_mem>>
        tpu.enqueue_indirect_dma source(%arg11 : memref<128x8xf32, #tpu.memory_space<vmem>>) target(%dma_start3A_105 : memref<10112x8xf32, #tpu.memory_space<vmem_shared>>) offsets(%dma_start3A_102 : memref<128xi32, #tpu.memory_space<vmem>>) semaphore(%dma_start3A_107 : memref<!tpu.dma_semaphore, #tpu.memory_space<semaphore_mem>>) {add = true}
      } else {
      }
      %add3A_61 = arith.constant 1 : i32
      %add3A_62 = arith.addi %add3A_52, %add3A_61 : i32
      %lt3A_63 = arith.constant 80 : i32
      %lt3A_64 = arith.cmpi slt, %add3A_62, %lt3A_63 : i32
      %convert_element_type3A_65 = arith.extui %lt3A_64 : i1 to i32
      %cond3A_66 = arith.constant 0 : i32
      %cond3A_67 = arith.cmpi ne, %convert_element_type3A_65, %cond3A_66 : i32
      scf.if %cond3A_67 {
        %ge3A = arith.constant 1 : i32
        %ge3A_68 = arith.cmpi sge, %add3A_52, %ge3A : i32
        %convert_element_type3A_69 = arith.extui %ge3A_68 : i1 to i32
        %cond3A_70 = arith.constant 0 : i32
        %cond3A_71 = arith.cmpi ne, %convert_element_type3A_69, %cond3A_70 : i32
        scf.if %cond3A_71 {
          %sub3A = arith.constant 1 : i32
          %sub3A_82 = arith.subi %add3A_52, %sub3A : i32
          %mul3A_83 = arith.constant 128 : i32
          %mul3A_84 = arith.muli %sub3A_82, %mul3A_83 : i32
          %add3A_85 = arith.addi %mul3A_4, %mul3A_84 : i32
          %lt3A_86 = arith.constant 320000 : i32
          %lt3A_87 = arith.cmpi slt, %add3A_85, %lt3A_86 : i32
          %convert_element_type3A_88 = arith.extui %lt3A_87 : i1 to i32
          %cond3A_89 = arith.constant 0 : i32
          %cond3A_90 = arith.cmpi ne, %convert_element_type3A_88, %cond3A_89 : i32
          scf.if %cond3A_90 {
            %dma_wait3A = arith.constant 0 : i32
            %dma_wait3A_91 = arith.constant 0 : i32
            %dma_wait3A_92 = arith.constant 0 : i32
            %dma_wait3A_93 = arith.constant 0 : i32
            %dma_wait3A_94 = tpu.memref_slice %arg10[%dma_wait3A, %dma_wait3A_92, %dma_wait3A_93] : memref<2x128x16xf32, #tpu.memory_space<vmem>> -> memref<1x128x16xf32, #tpu.memory_space<vmem>>
            %dma_wait3A_95 = tpu.memref_squeeze %dma_wait3A_94 : memref<1x128x16xf32, #tpu.memory_space<vmem>> -> memref<128x16xf32, #tpu.memory_space<vmem>>
            %dma_wait3A_96 = arith.constant 0 : i32
            %dma_wait3A_97 = tpu.memref_slice %arg9[%sub3A_82, %dma_wait3A_96] : memref<80x128xi32, #tpu.memory_space<vmem>> -> memref<1x128xi32, #tpu.memory_space<vmem>>
            %dma_wait3A_98 = tpu.memref_squeeze %dma_wait3A_97 : memref<1x128xi32, #tpu.memory_space<vmem>> -> memref<128xi32, #tpu.memory_space<vmem>>
            %dma_wait3A_99 = arith.constant 0 : i32
            %dma_wait3A_100 = arith.constant 0 : i32
            %dma_wait3A_101 = tpu.memref_slice %arg12[%dma_wait3A_99, %dma_wait3A_100] : memref<10112x16xf32, #tpu.memory_space<vmem_shared>> -> memref<10112x16xf32, #tpu.memory_space<vmem_shared>>
            %dma_wait3A_102 = tpu.memref_slice %arg15[%dma_wait3A_91] : memref<2x!tpu.dma_semaphore, #tpu.memory_space<semaphore_mem>> -> memref<1x!tpu.dma_semaphore, #tpu.memory_space<semaphore_mem>>
            %dma_wait3A_103 = tpu.memref_squeeze %dma_wait3A_102 : memref<1x!tpu.dma_semaphore, #tpu.memory_space<semaphore_mem>> -> memref<!tpu.dma_semaphore, #tpu.memory_space<semaphore_mem>>
            tpu.wait_indirect_dma semaphore(%dma_wait3A_103 : memref<!tpu.dma_semaphore, #tpu.memory_space<semaphore_mem>>) src(%dma_wait3A_95 : memref<128x16xf32, #tpu.memory_space<vmem>>) dst(%dma_wait3A_101 : memref<10112x16xf32, #tpu.memory_space<vmem_shared>>)
            %dma_wait3A_104 = arith.constant 0 : i32
            %dma_wait3A_105 = arith.constant 0 : i32
            %dma_wait3A_106 = tpu.memref_slice %arg9[%sub3A_82, %dma_wait3A_105] : memref<80x128xi32, #tpu.memory_space<vmem>> -> memref<1x128xi32, #tpu.memory_space<vmem>>
            %dma_wait3A_107 = tpu.memref_squeeze %dma_wait3A_106 : memref<1x128xi32, #tpu.memory_space<vmem>> -> memref<128xi32, #tpu.memory_space<vmem>>
            %dma_wait3A_108 = arith.constant 0 : i32
            %dma_wait3A_109 = arith.constant 0 : i32
            %dma_wait3A_110 = tpu.memref_slice %arg13[%dma_wait3A_108, %dma_wait3A_109] : memref<10112x8xf32, #tpu.memory_space<vmem_shared>> -> memref<10112x8xf32, #tpu.memory_space<vmem_shared>>
            %dma_wait3A_111 = tpu.memref_slice %arg16[%dma_wait3A_104] : memref<2x!tpu.dma_semaphore, #tpu.memory_space<semaphore_mem>> -> memref<1x!tpu.dma_semaphore, #tpu.memory_space<semaphore_mem>>
            %dma_wait3A_112 = tpu.memref_squeeze %dma_wait3A_111 : memref<1x!tpu.dma_semaphore, #tpu.memory_space<semaphore_mem>> -> memref<!tpu.dma_semaphore, #tpu.memory_space<semaphore_mem>>
            tpu.wait_indirect_dma semaphore(%dma_wait3A_112 : memref<!tpu.dma_semaphore, #tpu.memory_space<semaphore_mem>>) src(%arg11 : memref<128x8xf32, #tpu.memory_space<vmem>>) dst(%dma_wait3A_110 : memref<10112x8xf32, #tpu.memory_space<vmem_shared>>)
          } else {
          }
        } else {
        }
        %add3A_72 = arith.constant 1 : i32
        %add3A_73 = arith.addi %add3A_52, %add3A_72 : i32
        %mul3A_74 = arith.constant 128 : i32
        %mul3A_75 = arith.muli %add3A_73, %mul3A_74 : i32
        %add3A_76 = arith.addi %mul3A_4, %mul3A_75 : i32
        %lt3A_77 = arith.constant 320000 : i32
        %lt3A_78 = arith.cmpi slt, %add3A_76, %lt3A_77 : i32
        %convert_element_type3A_79 = arith.extui %lt3A_78 : i1 to i32
        %cond3A_80 = arith.constant 0 : i32
        %cond3A_81 = arith.cmpi ne, %convert_element_type3A_79, %cond3A_80 : i32
        scf.if %cond3A_81 {
          %mul3A_82 = arith.constant 128 : i32
          %mul3A_83 = arith.muli %add3A_73, %mul3A_82 : i32
          %add3A_84 = arith.addi %mul3A_4, %mul3A_83 : i32
          %dma_start3A = arith.constant 0 : i32
          %dma_start3A_85 = arith.constant 0 : i32
          %dma_start3A_86 = arith.constant 0 : i32
          %dma_start3A_87 = arith.constant 0 : i32
          %dma_start3A_88 = tpu.memref_slice %arg10[%dma_start3A, %dma_start3A_86, %dma_start3A_87] : memref<2x128x16xf32, #tpu.memory_space<vmem>> -> memref<1x128x16xf32, #tpu.memory_space<vmem>>
          %dma_start3A_89 = tpu.memref_squeeze %dma_start3A_88 : memref<1x128x16xf32, #tpu.memory_space<vmem>> -> memref<128x16xf32, #tpu.memory_space<vmem>>
          %dma_start3A_90 = arith.constant 0 : i32
          %dma_start3A_91 = tpu.memref_slice %arg2[%add3A_84, %dma_start3A_90] : memref<320000x16xf32, #tpu.memory_space<hbm>> -> memref<128x16xf32, #tpu.memory_space<hbm>>
          %dma_start3A_92 = tpu.memref_slice %arg14[%dma_start3A_85] : memref<2x!tpu.dma_semaphore, #tpu.memory_space<semaphore_mem>> -> memref<1x!tpu.dma_semaphore, #tpu.memory_space<semaphore_mem>>
          %dma_start3A_93 = tpu.memref_squeeze %dma_start3A_92 : memref<1x!tpu.dma_semaphore, #tpu.memory_space<semaphore_mem>> -> memref<!tpu.dma_semaphore, #tpu.memory_space<semaphore_mem>>
          %dma_start3A_94 = arith.constant 0 : i32
          %dma_start3A_95 = arith.constant 0 : i32
          %dma_start3A_96 = tpu.memref_slice %arg10[%dma_start3A, %dma_start3A_94, %dma_start3A_95] : memref<2x128x16xf32, #tpu.memory_space<vmem>> -> memref<1x128x16xf32, #tpu.memory_space<vmem>>
          %dma_start3A_97 = tpu.memref_squeeze %dma_start3A_96 : memref<1x128x16xf32, #tpu.memory_space<vmem>> -> memref<128x16xf32, #tpu.memory_space<vmem>>
          %dma_start3A_98 = arith.constant 0 : i32
          %dma_start3A_99 = tpu.memref_slice %arg2[%add3A_84, %dma_start3A_98] : memref<320000x16xf32, #tpu.memory_space<hbm>> -> memref<128x16xf32, #tpu.memory_space<hbm>>
          tpu.enqueue_dma source(%dma_start3A_99 : memref<128x16xf32, #tpu.memory_space<hbm>>) target(%dma_start3A_97 : memref<128x16xf32, #tpu.memory_space<vmem>>) target_semaphore(%dma_start3A_93 : memref<!tpu.dma_semaphore, #tpu.memory_space<semaphore_mem>>)
        } else {
        }
      } else {
      }
    }
    %scan3A_13 = arith.constant 40 : i32
    %add3A_14 = arith.constant 9984 : i32
    %add3A_15 = arith.addi %mul3A_4, %add3A_14 : i32
    %lt3A_16 = arith.constant 320000 : i32
    %lt3A_17 = arith.cmpi slt, %add3A_15, %lt3A_16 : i32
    %convert_element_type3A_18 = arith.extui %lt3A_17 : i1 to i32
    %cond3A_19 = arith.constant 0 : i32
    %cond3A_20 = arith.cmpi ne, %convert_element_type3A_18, %cond3A_19 : i32
    scf.if %cond3A_20 {
      %dma_wait3A = arith.constant 0 : i32
      %dma_wait3A_29 = arith.constant 78 : i32
      %dma_wait3A_30 = arith.constant 0 : i32
      %dma_wait3A_31 = arith.constant 0 : i32
      %dma_wait3A_32 = arith.constant 0 : i32
      %dma_wait3A_33 = tpu.memref_slice %arg10[%dma_wait3A, %dma_wait3A_31, %dma_wait3A_32] : memref<2x128x16xf32, #tpu.memory_space<vmem>> -> memref<1x128x16xf32, #tpu.memory_space<vmem>>
      %dma_wait3A_34 = tpu.memref_squeeze %dma_wait3A_33 : memref<1x128x16xf32, #tpu.memory_space<vmem>> -> memref<128x16xf32, #tpu.memory_space<vmem>>
      %dma_wait3A_35 = arith.constant 0 : i32
      %dma_wait3A_36 = tpu.memref_slice %arg9[%dma_wait3A_29, %dma_wait3A_35] : memref<80x128xi32, #tpu.memory_space<vmem>> -> memref<1x128xi32, #tpu.memory_space<vmem>>
      %dma_wait3A_37 = tpu.memref_squeeze %dma_wait3A_36 : memref<1x128xi32, #tpu.memory_space<vmem>> -> memref<128xi32, #tpu.memory_space<vmem>>
      %dma_wait3A_38 = arith.constant 0 : i32
      %dma_wait3A_39 = arith.constant 0 : i32
      %dma_wait3A_40 = tpu.memref_slice %arg12[%dma_wait3A_38, %dma_wait3A_39] : memref<10112x16xf32, #tpu.memory_space<vmem_shared>> -> memref<10112x16xf32, #tpu.memory_space<vmem_shared>>
      %dma_wait3A_41 = tpu.memref_slice %arg15[%dma_wait3A_30] : memref<2x!tpu.dma_semaphore, #tpu.memory_space<semaphore_mem>> -> memref<1x!tpu.dma_semaphore, #tpu.memory_space<semaphore_mem>>
      %dma_wait3A_42 = tpu.memref_squeeze %dma_wait3A_41 : memref<1x!tpu.dma_semaphore, #tpu.memory_space<semaphore_mem>> -> memref<!tpu.dma_semaphore, #tpu.memory_space<semaphore_mem>>
      tpu.wait_indirect_dma semaphore(%dma_wait3A_42 : memref<!tpu.dma_semaphore, #tpu.memory_space<semaphore_mem>>) src(%dma_wait3A_34 : memref<128x16xf32, #tpu.memory_space<vmem>>) dst(%dma_wait3A_40 : memref<10112x16xf32, #tpu.memory_space<vmem_shared>>)
      %dma_wait3A_43 = arith.constant 78 : i32
      %dma_wait3A_44 = arith.constant 0 : i32
      %dma_wait3A_45 = arith.constant 0 : i32
      %dma_wait3A_46 = tpu.memref_slice %arg9[%dma_wait3A_43, %dma_wait3A_45] : memref<80x128xi32, #tpu.memory_space<vmem>> -> memref<1x128xi32, #tpu.memory_space<vmem>>
      %dma_wait3A_47 = tpu.memref_squeeze %dma_wait3A_46 : memref<1x128xi32, #tpu.memory_space<vmem>> -> memref<128xi32, #tpu.memory_space<vmem>>
      %dma_wait3A_48 = arith.constant 0 : i32
      %dma_wait3A_49 = arith.constant 0 : i32
      %dma_wait3A_50 = tpu.memref_slice %arg13[%dma_wait3A_48, %dma_wait3A_49] : memref<10112x8xf32, #tpu.memory_space<vmem_shared>> -> memref<10112x8xf32, #tpu.memory_space<vmem_shared>>
      %dma_wait3A_51 = tpu.memref_slice %arg16[%dma_wait3A_44] : memref<2x!tpu.dma_semaphore, #tpu.memory_space<semaphore_mem>> -> memref<1x!tpu.dma_semaphore, #tpu.memory_space<semaphore_mem>>
      %dma_wait3A_52 = tpu.memref_squeeze %dma_wait3A_51 : memref<1x!tpu.dma_semaphore, #tpu.memory_space<semaphore_mem>> -> memref<!tpu.dma_semaphore, #tpu.memory_space<semaphore_mem>>
      tpu.wait_indirect_dma semaphore(%dma_wait3A_52 : memref<!tpu.dma_semaphore, #tpu.memory_space<semaphore_mem>>) src(%arg11 : memref<128x8xf32, #tpu.memory_space<vmem>>) dst(%dma_wait3A_50 : memref<10112x8xf32, #tpu.memory_space<vmem_shared>>)
    } else {
    }
    %add3A_21 = arith.constant 10112 : i32
    %add3A_22 = arith.addi %mul3A_4, %add3A_21 : i32
    %lt3A_23 = arith.constant 320000 : i32
    %lt3A_24 = arith.cmpi slt, %add3A_22, %lt3A_23 : i32
    %convert_element_type3A_25 = arith.extui %lt3A_24 : i1 to i32
    %cond3A_26 = arith.constant 0 : i32
    %cond3A_27 = arith.cmpi ne, %convert_element_type3A_25, %cond3A_26 : i32
    scf.if %cond3A_27 {
      %dma_wait3A = arith.constant 1 : i32
      %dma_wait3A_29 = arith.constant 79 : i32
      %dma_wait3A_30 = arith.constant 1 : i32
      %dma_wait3A_31 = arith.constant 0 : i32
      %dma_wait3A_32 = arith.constant 0 : i32
      %dma_wait3A_33 = tpu.memref_slice %arg10[%dma_wait3A, %dma_wait3A_31, %dma_wait3A_32] : memref<2x128x16xf32, #tpu.memory_space<vmem>> -> memref<1x128x16xf32, #tpu.memory_space<vmem>>
      %dma_wait3A_34 = tpu.memref_squeeze %dma_wait3A_33 : memref<1x128x16xf32, #tpu.memory_space<vmem>> -> memref<128x16xf32, #tpu.memory_space<vmem>>
      %dma_wait3A_35 = arith.constant 0 : i32
      %dma_wait3A_36 = tpu.memref_slice %arg9[%dma_wait3A_29, %dma_wait3A_35] : memref<80x128xi32, #tpu.memory_space<vmem>> -> memref<1x128xi32, #tpu.memory_space<vmem>>
      %dma_wait3A_37 = tpu.memref_squeeze %dma_wait3A_36 : memref<1x128xi32, #tpu.memory_space<vmem>> -> memref<128xi32, #tpu.memory_space<vmem>>
      %dma_wait3A_38 = arith.constant 0 : i32
      %dma_wait3A_39 = arith.constant 0 : i32
      %dma_wait3A_40 = tpu.memref_slice %arg12[%dma_wait3A_38, %dma_wait3A_39] : memref<10112x16xf32, #tpu.memory_space<vmem_shared>> -> memref<10112x16xf32, #tpu.memory_space<vmem_shared>>
      %dma_wait3A_41 = tpu.memref_slice %arg15[%dma_wait3A_30] : memref<2x!tpu.dma_semaphore, #tpu.memory_space<semaphore_mem>> -> memref<1x!tpu.dma_semaphore, #tpu.memory_space<semaphore_mem>>
      %dma_wait3A_42 = tpu.memref_squeeze %dma_wait3A_41 : memref<1x!tpu.dma_semaphore, #tpu.memory_space<semaphore_mem>> -> memref<!tpu.dma_semaphore, #tpu.memory_space<semaphore_mem>>
      tpu.wait_indirect_dma semaphore(%dma_wait3A_42 : memref<!tpu.dma_semaphore, #tpu.memory_space<semaphore_mem>>) src(%dma_wait3A_34 : memref<128x16xf32, #tpu.memory_space<vmem>>) dst(%dma_wait3A_40 : memref<10112x16xf32, #tpu.memory_space<vmem_shared>>)
      %dma_wait3A_43 = arith.constant 79 : i32
      %dma_wait3A_44 = arith.constant 1 : i32
      %dma_wait3A_45 = arith.constant 0 : i32
      %dma_wait3A_46 = tpu.memref_slice %arg9[%dma_wait3A_43, %dma_wait3A_45] : memref<80x128xi32, #tpu.memory_space<vmem>> -> memref<1x128xi32, #tpu.memory_space<vmem>>
      %dma_wait3A_47 = tpu.memref_squeeze %dma_wait3A_46 : memref<1x128xi32, #tpu.memory_space<vmem>> -> memref<128xi32, #tpu.memory_space<vmem>>
      %dma_wait3A_48 = arith.constant 0 : i32
      %dma_wait3A_49 = arith.constant 0 : i32
      %dma_wait3A_50 = tpu.memref_slice %arg13[%dma_wait3A_48, %dma_wait3A_49] : memref<10112x8xf32, #tpu.memory_space<vmem_shared>> -> memref<10112x8xf32, #tpu.memory_space<vmem_shared>>
      %dma_wait3A_51 = tpu.memref_slice %arg16[%dma_wait3A_44] : memref<2x!tpu.dma_semaphore, #tpu.memory_space<semaphore_mem>> -> memref<1x!tpu.dma_semaphore, #tpu.memory_space<semaphore_mem>>
      %dma_wait3A_52 = tpu.memref_squeeze %dma_wait3A_51 : memref<1x!tpu.dma_semaphore, #tpu.memory_space<semaphore_mem>> -> memref<!tpu.dma_semaphore, #tpu.memory_space<semaphore_mem>>
      tpu.wait_indirect_dma semaphore(%dma_wait3A_52 : memref<!tpu.dma_semaphore, #tpu.memory_space<semaphore_mem>>) src(%arg11 : memref<128x8xf32, #tpu.memory_space<vmem>>) dst(%dma_wait3A_50 : memref<10112x8xf32, #tpu.memory_space<vmem_shared>>)
    } else {
    }
    %barrier3A_28 = arith.constant 0 : index
    tpu.barrier barrier_id(%barrier3A_28)
    "tpu.region"() ({
      %run_scoped3A = tpu.sem_alloc : memref<!tpu.dma_semaphore, #tpu.memory_space<semaphore_mem>>
      %dma_start3A = arith.constant 0 : i32
      %dma_start3A_29 = tpu.memref_slice %arg7[%arg0, %mul3A_0, %dma_start3A] : memref<2x10112x16xf32, #tpu.memory_space<hbm>> -> memref<1x632x16xf32, #tpu.memory_space<hbm>>
      %dma_start3A_30 = tpu.memref_squeeze %dma_start3A_29 : memref<1x632x16xf32, #tpu.memory_space<hbm>> -> memref<632x16xf32, #tpu.memory_space<hbm>>
      %dma_start3A_31 = arith.constant 0 : i32
      %dma_start3A_32 = tpu.memref_slice %arg12[%mul3A_0, %dma_start3A_31] : memref<10112x16xf32, #tpu.memory_space<vmem_shared>> -> memref<632x16xf32, #tpu.memory_space<vmem_shared>>
      tpu.enqueue_dma source(%dma_start3A_32 : memref<632x16xf32, #tpu.memory_space<vmem_shared>>) target(%dma_start3A_30 : memref<632x16xf32, #tpu.memory_space<hbm>>) target_semaphore(%run_scoped3A : memref<!tpu.dma_semaphore, #tpu.memory_space<semaphore_mem>>)
      %dma_wait3A = arith.constant 0 : i32
      %dma_wait3A_33 = tpu.memref_slice %arg7[%arg0, %mul3A_0, %dma_wait3A] : memref<2x10112x16xf32, #tpu.memory_space<hbm>> -> memref<1x632x16xf32, #tpu.memory_space<hbm>>
      %dma_wait3A_34 = tpu.memref_squeeze %dma_wait3A_33 : memref<1x632x16xf32, #tpu.memory_space<hbm>> -> memref<632x16xf32, #tpu.memory_space<hbm>>
      %dma_wait3A_35 = arith.constant 0 : i32
      %dma_wait3A_36 = tpu.memref_slice %arg12[%mul3A_0, %dma_wait3A_35] : memref<10112x16xf32, #tpu.memory_space<vmem_shared>> -> memref<632x16xf32, #tpu.memory_space<vmem_shared>>
      tpu.wait_dma2 semaphore(%run_scoped3A : memref<!tpu.dma_semaphore, #tpu.memory_space<semaphore_mem>>) src(%dma_wait3A_36 : memref<632x16xf32, #tpu.memory_space<vmem_shared>>) dst(%dma_wait3A_34 : memref<632x16xf32, #tpu.memory_space<hbm>>)
      tpu.yield
    }) : () -> ()
    "tpu.region"() ({
      %run_scoped3A = tpu.sem_alloc : memref<!tpu.dma_semaphore, #tpu.memory_space<semaphore_mem>>
      %dma_start3A = arith.constant 0 : i32
      %dma_start3A_29 = tpu.memref_slice %arg8[%arg0, %mul3A_0, %dma_start3A] : memref<2x10112x8xf32, #tpu.memory_space<hbm>> -> memref<1x632x8xf32, #tpu.memory_space<hbm>>
      %dma_start3A_30 = tpu.memref_squeeze %dma_start3A_29 : memref<1x632x8xf32, #tpu.memory_space<hbm>> -> memref<632x8xf32, #tpu.memory_space<hbm>>
      %dma_start3A_31 = arith.constant 0 : i32
      %dma_start3A_32 = tpu.memref_slice %arg13[%mul3A_0, %dma_start3A_31] : memref<10112x8xf32, #tpu.memory_space<vmem_shared>> -> memref<632x8xf32, #tpu.memory_space<vmem_shared>>
      tpu.enqueue_dma source(%dma_start3A_32 : memref<632x8xf32, #tpu.memory_space<vmem_shared>>) target(%dma_start3A_30 : memref<632x8xf32, #tpu.memory_space<hbm>>) target_semaphore(%run_scoped3A : memref<!tpu.dma_semaphore, #tpu.memory_space<semaphore_mem>>)
      %dma_wait3A = arith.constant 0 : i32
      %dma_wait3A_33 = tpu.memref_slice %arg8[%arg0, %mul3A_0, %dma_wait3A] : memref<2x10112x8xf32, #tpu.memory_space<hbm>> -> memref<1x632x8xf32, #tpu.memory_space<hbm>>
      %dma_wait3A_34 = tpu.memref_squeeze %dma_wait3A_33 : memref<1x632x8xf32, #tpu.memory_space<hbm>> -> memref<632x8xf32, #tpu.memory_space<hbm>>
      %dma_wait3A_35 = arith.constant 0 : i32
      %dma_wait3A_36 = tpu.memref_slice %arg13[%mul3A_0, %dma_wait3A_35] : memref<10112x8xf32, #tpu.memory_space<vmem_shared>> -> memref<632x8xf32, #tpu.memory_space<vmem_shared>>
      tpu.wait_dma2 semaphore(%run_scoped3A : memref<!tpu.dma_semaphore, #tpu.memory_space<semaphore_mem>>) src(%dma_wait3A_36 : memref<632x8xf32, #tpu.memory_space<vmem_shared>>) dst(%dma_wait3A_34 : memref<632x8xf32, #tpu.memory_space<hbm>>)
      tpu.yield
    }) : () -> ()
    return
  }
}

#map = affine_map<(d0, d1) -> (0, 0)>
#map1 = affine_map<(d0, d1) -> (0, 0, 0, 0)>
#map2 = affine_map<(d0, d1) -> (0, 0, 0)>
module attributes {stable_mosaic.version = 14 : i64} {
  func.func @sc_scatter_x(%arg0: i32, %arg1: i32, %arg2: memref<20000x64xf32, #tpu.memory_space<hbm>>, %arg3: memref<2x16x159x128xi32, #tpu.memory_space<hbm>>, %arg4: memref<16x159x128xi32, #tpu.memory_space<hbm>>, %arg5: memref<10112x64xf32, #tpu.memory_space<hbm>>, %arg6: memref<10112x64xf32, #tpu.memory_space<hbm>>, %arg7: memref<10112x64xf32, #tpu.memory_space<hbm>>, %arg8: memref<159x128xi32, #tpu.memory_space<vmem>>, %arg9: memref<159x128xi32, #tpu.memory_space<vmem>>, %arg10: memref<3x128x64xf32, #tpu.memory_space<vmem>>, %arg11: memref<10112x64xf32, #tpu.memory_space<vmem_shared>>, %arg12: memref<3x!tpu.dma_semaphore, #tpu.memory_space<semaphore_mem>>, %arg13: memref<3x!tpu.dma_semaphore, #tpu.memory_space<semaphore_mem>>) attributes {dimension_semantics = [#tpu.dimension_semantics<core_parallel>, #tpu.dimension_semantics<subcore_parallel>], iteration_bounds = array<i64: 2, 16>, scalar_prefetch = 0 : i64, scratch_operands = 6 : i64, tpu.core_type = #tpu.core_type<sc_vector_subcore>, window_params = [{transform_indices = #map}, {transform_indices = #map1}, {transform_indices = #map2}, {transform_indices = #map}, {transform_indices = #map}, {transform_indices = #map}]} {
    %mul3A = arith.constant 632 : i32
    %mul3A_0 = arith.muli %arg1, %mul3A : i32
    "tpu.region"() ({
      %run_scoped3A = tpu.sem_alloc : memref<!tpu.dma_semaphore, #tpu.memory_space<semaphore_mem>>
      %dma_start3A_87 = arith.constant 0 : i32
      %dma_start3A_88 = tpu.memref_slice %arg11[%mul3A_0, %dma_start3A_87] : memref<10112x64xf32, #tpu.memory_space<vmem_shared>> -> memref<632x64xf32, #tpu.memory_space<vmem_shared>>
      %dma_start3A_89 = arith.constant 0 : i32
      %dma_start3A_90 = tpu.memref_slice %arg5[%mul3A_0, %dma_start3A_89] : memref<10112x64xf32, #tpu.memory_space<hbm>> -> memref<632x64xf32, #tpu.memory_space<hbm>>
      tpu.enqueue_dma source(%dma_start3A_90 : memref<632x64xf32, #tpu.memory_space<hbm>>) target(%dma_start3A_88 : memref<632x64xf32, #tpu.memory_space<vmem_shared>>) target_semaphore(%run_scoped3A : memref<!tpu.dma_semaphore, #tpu.memory_space<semaphore_mem>>)
      %dma_wait3A_91 = arith.constant 0 : i32
      %dma_wait3A_92 = tpu.memref_slice %arg11[%mul3A_0, %dma_wait3A_91] : memref<10112x64xf32, #tpu.memory_space<vmem_shared>> -> memref<632x64xf32, #tpu.memory_space<vmem_shared>>
      %dma_wait3A_93 = arith.constant 0 : i32
      %dma_wait3A_94 = tpu.memref_slice %arg5[%mul3A_0, %dma_wait3A_93] : memref<10112x64xf32, #tpu.memory_space<hbm>> -> memref<632x64xf32, #tpu.memory_space<hbm>>
      tpu.wait_dma2 semaphore(%run_scoped3A : memref<!tpu.dma_semaphore, #tpu.memory_space<semaphore_mem>>) src(%dma_wait3A_94 : memref<632x64xf32, #tpu.memory_space<hbm>>) dst(%dma_wait3A_92 : memref<632x64xf32, #tpu.memory_space<vmem_shared>>)
      tpu.yield
    }) : () -> ()
    "tpu.region"() ({
      %run_scoped3A = tpu.sem_alloc : memref<!tpu.dma_semaphore, #tpu.memory_space<semaphore_mem>>
      %dma_start3A_87 = arith.constant 0 : i32
      %dma_start3A_88 = arith.constant 0 : i32
      %dma_start3A_89 = tpu.memref_slice %arg3[%arg0, %arg1, %dma_start3A_87, %dma_start3A_88] : memref<2x16x159x128xi32, #tpu.memory_space<hbm>> -> memref<1x1x159x128xi32, #tpu.memory_space<hbm>>
      %dma_start3A_90 = tpu.memref_squeeze %dma_start3A_89 : memref<1x1x159x128xi32, #tpu.memory_space<hbm>> -> memref<159x128xi32, #tpu.memory_space<hbm>>
      %dma_start3A_91 = arith.constant 0 : i32
      %dma_start3A_92 = arith.constant 0 : i32
      %dma_start3A_93 = tpu.memref_slice %arg3[%arg0, %arg1, %dma_start3A_91, %dma_start3A_92] : memref<2x16x159x128xi32, #tpu.memory_space<hbm>> -> memref<1x1x159x128xi32, #tpu.memory_space<hbm>>
      %dma_start3A_94 = tpu.memref_squeeze %dma_start3A_93 : memref<1x1x159x128xi32, #tpu.memory_space<hbm>> -> memref<159x128xi32, #tpu.memory_space<hbm>>
      tpu.enqueue_dma source(%dma_start3A_94 : memref<159x128xi32, #tpu.memory_space<hbm>>) target(%arg8 : memref<159x128xi32, #tpu.memory_space<vmem>>) target_semaphore(%run_scoped3A : memref<!tpu.dma_semaphore, #tpu.memory_space<semaphore_mem>>)
      %dma_wait3A_95 = arith.constant 0 : i32
      %dma_wait3A_96 = arith.constant 0 : i32
      %dma_wait3A_97 = tpu.memref_slice %arg3[%arg0, %arg1, %dma_wait3A_95, %dma_wait3A_96] : memref<2x16x159x128xi32, #tpu.memory_space<hbm>> -> memref<1x1x159x128xi32, #tpu.memory_space<hbm>>
      %dma_wait3A_98 = tpu.memref_squeeze %dma_wait3A_97 : memref<1x1x159x128xi32, #tpu.memory_space<hbm>> -> memref<159x128xi32, #tpu.memory_space<hbm>>
      %dma_wait3A_99 = arith.constant 0 : i32
      %dma_wait3A_100 = arith.constant 0 : i32
      %dma_wait3A_101 = tpu.memref_slice %arg3[%arg0, %arg1, %dma_wait3A_99, %dma_wait3A_100] : memref<2x16x159x128xi32, #tpu.memory_space<hbm>> -> memref<1x1x159x128xi32, #tpu.memory_space<hbm>>
      %dma_wait3A_102 = tpu.memref_squeeze %dma_wait3A_101 : memref<1x1x159x128xi32, #tpu.memory_space<hbm>> -> memref<159x128xi32, #tpu.memory_space<hbm>>
      tpu.wait_dma2 semaphore(%run_scoped3A : memref<!tpu.dma_semaphore, #tpu.memory_space<semaphore_mem>>) src(%dma_wait3A_102 : memref<159x128xi32, #tpu.memory_space<hbm>>) dst(%arg8 : memref<159x128xi32, #tpu.memory_space<vmem>>)
      tpu.yield
    }) : () -> ()
    "tpu.region"() ({
      %run_scoped3A = tpu.sem_alloc : memref<!tpu.dma_semaphore, #tpu.memory_space<semaphore_mem>>
      %dma_start3A_87 = arith.constant 0 : i32
      %dma_start3A_88 = arith.constant 0 : i32
      %dma_start3A_89 = tpu.memref_slice %arg4[%arg1, %dma_start3A_87, %dma_start3A_88] : memref<16x159x128xi32, #tpu.memory_space<hbm>> -> memref<1x159x128xi32, #tpu.memory_space<hbm>>
      %dma_start3A_90 = tpu.memref_squeeze %dma_start3A_89 : memref<1x159x128xi32, #tpu.memory_space<hbm>> -> memref<159x128xi32, #tpu.memory_space<hbm>>
      %dma_start3A_91 = arith.constant 0 : i32
      %dma_start3A_92 = arith.constant 0 : i32
      %dma_start3A_93 = tpu.memref_slice %arg4[%arg1, %dma_start3A_91, %dma_start3A_92] : memref<16x159x128xi32, #tpu.memory_space<hbm>> -> memref<1x159x128xi32, #tpu.memory_space<hbm>>
      %dma_start3A_94 = tpu.memref_squeeze %dma_start3A_93 : memref<1x159x128xi32, #tpu.memory_space<hbm>> -> memref<159x128xi32, #tpu.memory_space<hbm>>
      tpu.enqueue_dma source(%dma_start3A_94 : memref<159x128xi32, #tpu.memory_space<hbm>>) target(%arg9 : memref<159x128xi32, #tpu.memory_space<vmem>>) target_semaphore(%run_scoped3A : memref<!tpu.dma_semaphore, #tpu.memory_space<semaphore_mem>>)
      %dma_wait3A_95 = arith.constant 0 : i32
      %dma_wait3A_96 = arith.constant 0 : i32
      %dma_wait3A_97 = tpu.memref_slice %arg4[%arg1, %dma_wait3A_95, %dma_wait3A_96] : memref<16x159x128xi32, #tpu.memory_space<hbm>> -> memref<1x159x128xi32, #tpu.memory_space<hbm>>
      %dma_wait3A_98 = tpu.memref_squeeze %dma_wait3A_97 : memref<1x159x128xi32, #tpu.memory_space<hbm>> -> memref<159x128xi32, #tpu.memory_space<hbm>>
      %dma_wait3A_99 = arith.constant 0 : i32
      %dma_wait3A_100 = arith.constant 0 : i32
      %dma_wait3A_101 = tpu.memref_slice %arg4[%arg1, %dma_wait3A_99, %dma_wait3A_100] : memref<16x159x128xi32, #tpu.memory_space<hbm>> -> memref<1x159x128xi32, #tpu.memory_space<hbm>>
      %dma_wait3A_102 = tpu.memref_squeeze %dma_wait3A_101 : memref<1x159x128xi32, #tpu.memory_space<hbm>> -> memref<159x128xi32, #tpu.memory_space<hbm>>
      tpu.wait_dma2 semaphore(%run_scoped3A : memref<!tpu.dma_semaphore, #tpu.memory_space<semaphore_mem>>) src(%dma_wait3A_102 : memref<159x128xi32, #tpu.memory_space<hbm>>) dst(%arg9 : memref<159x128xi32, #tpu.memory_space<vmem>>)
      tpu.yield
    }) : () -> ()
    %barrier3A = arith.constant 0 : index
    tpu.barrier barrier_id(%barrier3A)
    %dma_start3A = arith.constant 0 : i32
    %dma_start3A_1 = arith.constant 0 : i32
    %dma_start3A_2 = arith.constant 0 : i32
    %dma_start3A_3 = arith.constant 0 : i32
    %dma_start3A_4 = arith.constant 0 : i32
    %dma_start3A_5 = tpu.memref_slice %arg10[%dma_start3A_1, %dma_start3A_3, %dma_start3A_4] : memref<3x128x64xf32, #tpu.memory_space<vmem>> -> memref<1x128x64xf32, #tpu.memory_space<vmem>>
    %dma_start3A_6 = tpu.memref_squeeze %dma_start3A_5 : memref<1x128x64xf32, #tpu.memory_space<vmem>> -> memref<128x64xf32, #tpu.memory_space<vmem>>
    %dma_start3A_7 = arith.constant 0 : i32
    %dma_start3A_8 = tpu.memref_slice %arg8[%dma_start3A, %dma_start3A_7] : memref<159x128xi32, #tpu.memory_space<vmem>> -> memref<1x128xi32, #tpu.memory_space<vmem>>
    %dma_start3A_9 = tpu.memref_squeeze %dma_start3A_8 : memref<1x128xi32, #tpu.memory_space<vmem>> -> memref<128xi32, #tpu.memory_space<vmem>>
    %dma_start3A_10 = arith.constant 0 : i32
    %dma_start3A_11 = arith.constant 0 : i32
    %dma_start3A_12 = tpu.memref_slice %arg2[%dma_start3A_10, %dma_start3A_11] : memref<20000x64xf32, #tpu.memory_space<hbm>> -> memref<20000x64xf32, #tpu.memory_space<hbm>>
    %dma_start3A_13 = tpu.memref_slice %arg12[%dma_start3A_2] : memref<3x!tpu.dma_semaphore, #tpu.memory_space<semaphore_mem>> -> memref<1x!tpu.dma_semaphore, #tpu.memory_space<semaphore_mem>>
    %dma_start3A_14 = tpu.memref_squeeze %dma_start3A_13 : memref<1x!tpu.dma_semaphore, #tpu.memory_space<semaphore_mem>> -> memref<!tpu.dma_semaphore, #tpu.memory_space<semaphore_mem>>
    tpu.enqueue_indirect_dma source(%dma_start3A_12 : memref<20000x64xf32, #tpu.memory_space<hbm>>) target(%dma_start3A_6 : memref<128x64xf32, #tpu.memory_space<vmem>>) offsets(%dma_start3A_9 : memref<128xi32, #tpu.memory_space<vmem>>) semaphore(%dma_start3A_14 : memref<!tpu.dma_semaphore, #tpu.memory_space<semaphore_mem>>)
    %dma_start3A_15 = arith.constant 1 : i32
    %dma_start3A_16 = arith.constant 1 : i32
    %dma_start3A_17 = arith.constant 1 : i32
    %dma_start3A_18 = arith.constant 0 : i32
    %dma_start3A_19 = arith.constant 0 : i32
    %dma_start3A_20 = tpu.memref_slice %arg10[%dma_start3A_16, %dma_start3A_18, %dma_start3A_19] : memref<3x128x64xf32, #tpu.memory_space<vmem>> -> memref<1x128x64xf32, #tpu.memory_space<vmem>>
    %dma_start3A_21 = tpu.memref_squeeze %dma_start3A_20 : memref<1x128x64xf32, #tpu.memory_space<vmem>> -> memref<128x64xf32, #tpu.memory_space<vmem>>
    %dma_start3A_22 = arith.constant 0 : i32
    %dma_start3A_23 = tpu.memref_slice %arg8[%dma_start3A_15, %dma_start3A_22] : memref<159x128xi32, #tpu.memory_space<vmem>> -> memref<1x128xi32, #tpu.memory_space<vmem>>
    %dma_start3A_24 = tpu.memref_squeeze %dma_start3A_23 : memref<1x128xi32, #tpu.memory_space<vmem>> -> memref<128xi32, #tpu.memory_space<vmem>>
    %dma_start3A_25 = arith.constant 0 : i32
    %dma_start3A_26 = arith.constant 0 : i32
    %dma_start3A_27 = tpu.memref_slice %arg2[%dma_start3A_25, %dma_start3A_26] : memref<20000x64xf32, #tpu.memory_space<hbm>> -> memref<20000x64xf32, #tpu.memory_space<hbm>>
    %dma_start3A_28 = tpu.memref_slice %arg12[%dma_start3A_17] : memref<3x!tpu.dma_semaphore, #tpu.memory_space<semaphore_mem>> -> memref<1x!tpu.dma_semaphore, #tpu.memory_space<semaphore_mem>>
    %dma_start3A_29 = tpu.memref_squeeze %dma_start3A_28 : memref<1x!tpu.dma_semaphore, #tpu.memory_space<semaphore_mem>> -> memref<!tpu.dma_semaphore, #tpu.memory_space<semaphore_mem>>
    tpu.enqueue_indirect_dma source(%dma_start3A_27 : memref<20000x64xf32, #tpu.memory_space<hbm>>) target(%dma_start3A_21 : memref<128x64xf32, #tpu.memory_space<vmem>>) offsets(%dma_start3A_24 : memref<128xi32, #tpu.memory_space<vmem>>) semaphore(%dma_start3A_29 : memref<!tpu.dma_semaphore, #tpu.memory_space<semaphore_mem>>)
    %scan3A = arith.constant 0 : i32
    %scan3A_30 = arith.constant 0 : i32
    %scan3A_31 = arith.constant 53 : i32
    %scan3A_32 = arith.addi %scan3A_30, %scan3A_31 : i32
    %scan3A_33 = arith.constant 1 : i32
    scf.for %scan3A_87 = %scan3A_30 to %scan3A_32 step %scan3A_33  : i32 {
      %mul3A_88 = arith.constant 3 : i32
      %mul3A_89 = arith.muli %scan3A_87, %mul3A_88 : i32
      %add3A = arith.constant 0 : i32
      %add3A_90 = arith.addi %mul3A_89, %add3A : i32
      %dma_wait3A_91 = arith.constant 0 : i32
      %dma_wait3A_92 = arith.constant 0 : i32
      %dma_wait3A_93 = arith.constant 0 : i32
      %dma_wait3A_94 = arith.constant 0 : i32
      %dma_wait3A_95 = tpu.memref_slice %arg10[%dma_wait3A_91, %dma_wait3A_93, %dma_wait3A_94] : memref<3x128x64xf32, #tpu.memory_space<vmem>> -> memref<1x128x64xf32, #tpu.memory_space<vmem>>
      %dma_wait3A_96 = tpu.memref_squeeze %dma_wait3A_95 : memref<1x128x64xf32, #tpu.memory_space<vmem>> -> memref<128x64xf32, #tpu.memory_space<vmem>>
      %dma_wait3A_97 = arith.constant 0 : i32
      %dma_wait3A_98 = tpu.memref_slice %arg8[%add3A_90, %dma_wait3A_97] : memref<159x128xi32, #tpu.memory_space<vmem>> -> memref<1x128xi32, #tpu.memory_space<vmem>>
      %dma_wait3A_99 = tpu.memref_squeeze %dma_wait3A_98 : memref<1x128xi32, #tpu.memory_space<vmem>> -> memref<128xi32, #tpu.memory_space<vmem>>
      %dma_wait3A_100 = arith.constant 0 : i32
      %dma_wait3A_101 = arith.constant 0 : i32
      %dma_wait3A_102 = tpu.memref_slice %arg2[%dma_wait3A_100, %dma_wait3A_101] : memref<20000x64xf32, #tpu.memory_space<hbm>> -> memref<20000x64xf32, #tpu.memory_space<hbm>>
      %dma_wait3A_103 = tpu.memref_slice %arg12[%dma_wait3A_92] : memref<3x!tpu.dma_semaphore, #tpu.memory_space<semaphore_mem>> -> memref<1x!tpu.dma_semaphore, #tpu.memory_space<semaphore_mem>>
      %dma_wait3A_104 = tpu.memref_squeeze %dma_wait3A_103 : memref<1x!tpu.dma_semaphore, #tpu.memory_space<semaphore_mem>> -> memref<!tpu.dma_semaphore, #tpu.memory_space<semaphore_mem>>
      tpu.wait_indirect_dma semaphore(%dma_wait3A_104 : memref<!tpu.dma_semaphore, #tpu.memory_space<semaphore_mem>>) src(%dma_wait3A_102 : memref<20000x64xf32, #tpu.memory_space<hbm>>) dst(%dma_wait3A_96 : memref<128x64xf32, #tpu.memory_space<vmem>>)
      %dma_start3A_105 = arith.constant 0 : i32
      %dma_start3A_106 = arith.constant 0 : i32
      %dma_start3A_107 = arith.constant 0 : i32
      %dma_start3A_108 = arith.constant 0 : i32
      %dma_start3A_109 = tpu.memref_slice %arg10[%dma_start3A_105, %dma_start3A_107, %dma_start3A_108] : memref<3x128x64xf32, #tpu.memory_space<vmem>> -> memref<1x128x64xf32, #tpu.memory_space<vmem>>
      %dma_start3A_110 = tpu.memref_squeeze %dma_start3A_109 : memref<1x128x64xf32, #tpu.memory_space<vmem>> -> memref<128x64xf32, #tpu.memory_space<vmem>>
      %dma_start3A_111 = arith.constant 0 : i32
      %dma_start3A_112 = tpu.memref_slice %arg9[%add3A_90, %dma_start3A_111] : memref<159x128xi32, #tpu.memory_space<vmem>> -> memref<1x128xi32, #tpu.memory_space<vmem>>
      %dma_start3A_113 = tpu.memref_squeeze %dma_start3A_112 : memref<1x128xi32, #tpu.memory_space<vmem>> -> memref<128xi32, #tpu.memory_space<vmem>>
      %dma_start3A_114 = arith.constant 0 : i32
      %dma_start3A_115 = arith.constant 0 : i32
      %dma_start3A_116 = tpu.memref_slice %arg11[%dma_start3A_114, %dma_start3A_115] : memref<10112x64xf32, #tpu.memory_space<vmem_shared>> -> memref<10112x64xf32, #tpu.memory_space<vmem_shared>>
      %dma_start3A_117 = tpu.memref_slice %arg13[%dma_start3A_106] : memref<3x!tpu.dma_semaphore, #tpu.memory_space<semaphore_mem>> -> memref<1x!tpu.dma_semaphore, #tpu.memory_space<semaphore_mem>>
      %dma_start3A_118 = tpu.memref_squeeze %dma_start3A_117 : memref<1x!tpu.dma_semaphore, #tpu.memory_space<semaphore_mem>> -> memref<!tpu.dma_semaphore, #tpu.memory_space<semaphore_mem>>
      tpu.enqueue_indirect_dma source(%dma_start3A_110 : memref<128x64xf32, #tpu.memory_space<vmem>>) target(%dma_start3A_116 : memref<10112x64xf32, #tpu.memory_space<vmem_shared>>) offsets(%dma_start3A_113 : memref<128xi32, #tpu.memory_space<vmem>>) semaphore(%dma_start3A_118 : memref<!tpu.dma_semaphore, #tpu.memory_space<semaphore_mem>>) {add = true}
      %add3A_119 = arith.constant 2 : i32
      %add3A_120 = arith.addi %add3A_90, %add3A_119 : i32
      %lt3A = arith.constant 159 : i32
      %lt3A_121 = arith.cmpi slt, %add3A_120, %lt3A : i32
      %convert_element_type3A_122 = arith.extui %lt3A_121 : i1 to i32
      %cond3A_123 = arith.constant 0 : i32
      %cond3A_124 = arith.cmpi ne, %convert_element_type3A_122, %cond3A_123 : i32
      scf.if %cond3A_124 {
        %ge3A = arith.constant 1 : i32
        %ge3A_203 = arith.cmpi sge, %add3A_90, %ge3A : i32
        %convert_element_type3A_204 = arith.extui %ge3A_203 : i1 to i32
        %cond3A_205 = arith.constant 0 : i32
        %cond3A_206 = arith.cmpi ne, %convert_element_type3A_204, %cond3A_205 : i32
        scf.if %cond3A_206 {
          %sub3A = arith.constant 1 : i32
          %sub3A_223 = arith.subi %add3A_90, %sub3A : i32
          %dma_wait3A_224 = arith.constant 2 : i32
          %dma_wait3A_225 = arith.constant 2 : i32
          %dma_wait3A_226 = arith.constant 0 : i32
          %dma_wait3A_227 = arith.constant 0 : i32
          %dma_wait3A_228 = tpu.memref_slice %arg10[%dma_wait3A_224, %dma_wait3A_226, %dma_wait3A_227] : memref<3x128x64xf32, #tpu.memory_space<vmem>> -> memref<1x128x64xf32, #tpu.memory_space<vmem>>
          %dma_wait3A_229 = tpu.memref_squeeze %dma_wait3A_228 : memref<1x128x64xf32, #tpu.memory_space<vmem>> -> memref<128x64xf32, #tpu.memory_space<vmem>>
          %dma_wait3A_230 = arith.constant 0 : i32
          %dma_wait3A_231 = tpu.memref_slice %arg9[%sub3A_223, %dma_wait3A_230] : memref<159x128xi32, #tpu.memory_space<vmem>> -> memref<1x128xi32, #tpu.memory_space<vmem>>
          %dma_wait3A_232 = tpu.memref_squeeze %dma_wait3A_231 : memref<1x128xi32, #tpu.memory_space<vmem>> -> memref<128xi32, #tpu.memory_space<vmem>>
          %dma_wait3A_233 = arith.constant 0 : i32
          %dma_wait3A_234 = arith.constant 0 : i32
          %dma_wait3A_235 = tpu.memref_slice %arg11[%dma_wait3A_233, %dma_wait3A_234] : memref<10112x64xf32, #tpu.memory_space<vmem_shared>> -> memref<10112x64xf32, #tpu.memory_space<vmem_shared>>
          %dma_wait3A_236 = tpu.memref_slice %arg13[%dma_wait3A_225] : memref<3x!tpu.dma_semaphore, #tpu.memory_space<semaphore_mem>> -> memref<1x!tpu.dma_semaphore, #tpu.memory_space<semaphore_mem>>
          %dma_wait3A_237 = tpu.memref_squeeze %dma_wait3A_236 : memref<1x!tpu.dma_semaphore, #tpu.memory_space<semaphore_mem>> -> memref<!tpu.dma_semaphore, #tpu.memory_space<semaphore_mem>>
          tpu.wait_indirect_dma semaphore(%dma_wait3A_237 : memref<!tpu.dma_semaphore, #tpu.memory_space<semaphore_mem>>) src(%dma_wait3A_229 : memref<128x64xf32, #tpu.memory_space<vmem>>) dst(%dma_wait3A_235 : memref<10112x64xf32, #tpu.memory_space<vmem_shared>>)
        } else {
        }
        %add3A_207 = arith.constant 2 : i32
        %add3A_208 = arith.addi %add3A_90, %add3A_207 : i32
        %dma_start3A_209 = arith.constant 2 : i32
        %dma_start3A_210 = arith.constant 2 : i32
        %dma_start3A_211 = arith.constant 0 : i32
        %dma_start3A_212 = arith.constant 0 : i32
        %dma_start3A_213 = tpu.memref_slice %arg10[%dma_start3A_209, %dma_start3A_211, %dma_start3A_212] : memref<3x128x64xf32, #tpu.memory_space<vmem>> -> memref<1x128x64xf32, #tpu.memory_space<vmem>>
        %dma_start3A_214 = tpu.memref_squeeze %dma_start3A_213 : memref<1x128x64xf32, #tpu.memory_space<vmem>> -> memref<128x64xf32, #tpu.memory_space<vmem>>
        %dma_start3A_215 = arith.constant 0 : i32
        %dma_start3A_216 = tpu.memref_slice %arg8[%add3A_208, %dma_start3A_215] : memref<159x128xi32, #tpu.memory_space<vmem>> -> memref<1x128xi32, #tpu.memory_space<vmem>>
        %dma_start3A_217 = tpu.memref_squeeze %dma_start3A_216 : memref<1x128xi32, #tpu.memory_space<vmem>> -> memref<128xi32, #tpu.memory_space<vmem>>
        %dma_start3A_218 = arith.constant 0 : i32
        %dma_start3A_219 = arith.constant 0 : i32
        %dma_start3A_220 = tpu.memref_slice %arg2[%dma_start3A_218, %dma_start3A_219] : memref<20000x64xf32, #tpu.memory_space<hbm>> -> memref<20000x64xf32, #tpu.memory_space<hbm>>
        %dma_start3A_221 = tpu.memref_slice %arg12[%dma_start3A_210] : memref<3x!tpu.dma_semaphore, #tpu.memory_space<semaphore_mem>> -> memref<1x!tpu.dma_semaphore, #tpu.memory_space<semaphore_mem>>
        %dma_start3A_222 = tpu.memref_squeeze %dma_start3A_221 : memref<1x!tpu.dma_semaphore, #tpu.memory_space<semaphore_mem>> -> memref<!tpu.dma_semaphore, #tpu.memory_space<semaphore_mem>>
        tpu.enqueue_indirect_dma source(%dma_start3A_220 : memref<20000x64xf32, #tpu.memory_space<hbm>>) target(%dma_start3A_214 : memref<128x64xf32, #tpu.memory_space<vmem>>) offsets(%dma_start3A_217 : memref<128xi32, #tpu.memory_space<vmem>>) semaphore(%dma_start3A_222 : memref<!tpu.dma_semaphore, #tpu.memory_space<semaphore_mem>>)
      } else {
      }
      %mul3A_125 = arith.constant 3 : i32
      %mul3A_126 = arith.muli %scan3A_87, %mul3A_125 : i32
      %add3A_127 = arith.constant 1 : i32
      %add3A_128 = arith.addi %mul3A_126, %add3A_127 : i32
      %dma_wait3A_129 = arith.constant 1 : i32
      %dma_wait3A_130 = arith.constant 1 : i32
      %dma_wait3A_131 = arith.constant 0 : i32
      %dma_wait3A_132 = arith.constant 0 : i32
      %dma_wait3A_133 = tpu.memref_slice %arg10[%dma_wait3A_129, %dma_wait3A_131, %dma_wait3A_132] : memref<3x128x64xf32, #tpu.memory_space<vmem>> -> memref<1x128x64xf32, #tpu.memory_space<vmem>>
      %dma_wait3A_134 = tpu.memref_squeeze %dma_wait3A_133 : memref<1x128x64xf32, #tpu.memory_space<vmem>> -> memref<128x64xf32, #tpu.memory_space<vmem>>
      %dma_wait3A_135 = arith.constant 0 : i32
      %dma_wait3A_136 = tpu.memref_slice %arg8[%add3A_128, %dma_wait3A_135] : memref<159x128xi32, #tpu.memory_space<vmem>> -> memref<1x128xi32, #tpu.memory_space<vmem>>
      %dma_wait3A_137 = tpu.memref_squeeze %dma_wait3A_136 : memref<1x128xi32, #tpu.memory_space<vmem>> -> memref<128xi32, #tpu.memory_space<vmem>>
      %dma_wait3A_138 = arith.constant 0 : i32
      %dma_wait3A_139 = arith.constant 0 : i32
      %dma_wait3A_140 = tpu.memref_slice %arg2[%dma_wait3A_138, %dma_wait3A_139] : memref<20000x64xf32, #tpu.memory_space<hbm>> -> memref<20000x64xf32, #tpu.memory_space<hbm>>
      %dma_wait3A_141 = tpu.memref_slice %arg12[%dma_wait3A_130] : memref<3x!tpu.dma_semaphore, #tpu.memory_space<semaphore_mem>> -> memref<1x!tpu.dma_semaphore, #tpu.memory_space<semaphore_mem>>
      %dma_wait3A_142 = tpu.memref_squeeze %dma_wait3A_141 : memref<1x!tpu.dma_semaphore, #tpu.memory_space<semaphore_mem>> -> memref<!tpu.dma_semaphore, #tpu.memory_space<semaphore_mem>>
      tpu.wait_indirect_dma semaphore(%dma_wait3A_142 : memref<!tpu.dma_semaphore, #tpu.memory_space<semaphore_mem>>) src(%dma_wait3A_140 : memref<20000x64xf32, #tpu.memory_space<hbm>>) dst(%dma_wait3A_134 : memref<128x64xf32, #tpu.memory_space<vmem>>)
      %dma_start3A_143 = arith.constant 1 : i32
      %dma_start3A_144 = arith.constant 1 : i32
      %dma_start3A_145 = arith.constant 0 : i32
      %dma_start3A_146 = arith.constant 0 : i32
      %dma_start3A_147 = tpu.memref_slice %arg10[%dma_start3A_143, %dma_start3A_145, %dma_start3A_146] : memref<3x128x64xf32, #tpu.memory_space<vmem>> -> memref<1x128x64xf32, #tpu.memory_space<vmem>>
      %dma_start3A_148 = tpu.memref_squeeze %dma_start3A_147 : memref<1x128x64xf32, #tpu.memory_space<vmem>> -> memref<128x64xf32, #tpu.memory_space<vmem>>
      %dma_start3A_149 = arith.constant 0 : i32
      %dma_start3A_150 = tpu.memref_slice %arg9[%add3A_128, %dma_start3A_149] : memref<159x128xi32, #tpu.memory_space<vmem>> -> memref<1x128xi32, #tpu.memory_space<vmem>>
      %dma_start3A_151 = tpu.memref_squeeze %dma_start3A_150 : memref<1x128xi32, #tpu.memory_space<vmem>> -> memref<128xi32, #tpu.memory_space<vmem>>
      %dma_start3A_152 = arith.constant 0 : i32
      %dma_start3A_153 = arith.constant 0 : i32
      %dma_start3A_154 = tpu.memref_slice %arg11[%dma_start3A_152, %dma_start3A_153] : memref<10112x64xf32, #tpu.memory_space<vmem_shared>> -> memref<10112x64xf32, #tpu.memory_space<vmem_shared>>
      %dma_start3A_155 = tpu.memref_slice %arg13[%dma_start3A_144] : memref<3x!tpu.dma_semaphore, #tpu.memory_space<semaphore_mem>> -> memref<1x!tpu.dma_semaphore, #tpu.memory_space<semaphore_mem>>
      %dma_start3A_156 = tpu.memref_squeeze %dma_start3A_155 : memref<1x!tpu.dma_semaphore, #tpu.memory_space<semaphore_mem>> -> memref<!tpu.dma_semaphore, #tpu.memory_space<semaphore_mem>>
      tpu.enqueue_indirect_dma source(%dma_start3A_148 : memref<128x64xf32, #tpu.memory_space<vmem>>) target(%dma_start3A_154 : memref<10112x64xf32, #tpu.memory_space<vmem_shared>>) offsets(%dma_start3A_151 : memref<128xi32, #tpu.memory_space<vmem>>) semaphore(%dma_start3A_156 : memref<!tpu.dma_semaphore, #tpu.memory_space<semaphore_mem>>) {add = true}
      %add3A_157 = arith.constant 2 : i32
      %add3A_158 = arith.addi %add3A_128, %add3A_157 : i32
      %lt3A_159 = arith.constant 159 : i32
      %lt3A_160 = arith.cmpi slt, %add3A_158, %lt3A_159 : i32
      %convert_element_type3A_161 = arith.extui %lt3A_160 : i1 to i32
      %cond3A_162 = arith.constant 0 : i32
      %cond3A_163 = arith.cmpi ne, %convert_element_type3A_161, %cond3A_162 : i32
      scf.if %cond3A_163 {
        %ge3A = arith.constant 1 : i32
        %ge3A_203 = arith.cmpi sge, %add3A_128, %ge3A : i32
        %convert_element_type3A_204 = arith.extui %ge3A_203 : i1 to i32
        %cond3A_205 = arith.constant 0 : i32
        %cond3A_206 = arith.cmpi ne, %convert_element_type3A_204, %cond3A_205 : i32
        scf.if %cond3A_206 {
          %sub3A = arith.constant 1 : i32
          %sub3A_223 = arith.subi %add3A_128, %sub3A : i32
          %dma_wait3A_224 = arith.constant 0 : i32
          %dma_wait3A_225 = arith.constant 0 : i32
          %dma_wait3A_226 = arith.constant 0 : i32
          %dma_wait3A_227 = arith.constant 0 : i32
          %dma_wait3A_228 = tpu.memref_slice %arg10[%dma_wait3A_224, %dma_wait3A_226, %dma_wait3A_227] : memref<3x128x64xf32, #tpu.memory_space<vmem>> -> memref<1x128x64xf32, #tpu.memory_space<vmem>>
          %dma_wait3A_229 = tpu.memref_squeeze %dma_wait3A_228 : memref<1x128x64xf32, #tpu.memory_space<vmem>> -> memref<128x64xf32, #tpu.memory_space<vmem>>
          %dma_wait3A_230 = arith.constant 0 : i32
          %dma_wait3A_231 = tpu.memref_slice %arg9[%sub3A_223, %dma_wait3A_230] : memref<159x128xi32, #tpu.memory_space<vmem>> -> memref<1x128xi32, #tpu.memory_space<vmem>>
          %dma_wait3A_232 = tpu.memref_squeeze %dma_wait3A_231 : memref<1x128xi32, #tpu.memory_space<vmem>> -> memref<128xi32, #tpu.memory_space<vmem>>
          %dma_wait3A_233 = arith.constant 0 : i32
          %dma_wait3A_234 = arith.constant 0 : i32
          %dma_wait3A_235 = tpu.memref_slice %arg11[%dma_wait3A_233, %dma_wait3A_234] : memref<10112x64xf32, #tpu.memory_space<vmem_shared>> -> memref<10112x64xf32, #tpu.memory_space<vmem_shared>>
          %dma_wait3A_236 = tpu.memref_slice %arg13[%dma_wait3A_225] : memref<3x!tpu.dma_semaphore, #tpu.memory_space<semaphore_mem>> -> memref<1x!tpu.dma_semaphore, #tpu.memory_space<semaphore_mem>>
          %dma_wait3A_237 = tpu.memref_squeeze %dma_wait3A_236 : memref<1x!tpu.dma_semaphore, #tpu.memory_space<semaphore_mem>> -> memref<!tpu.dma_semaphore, #tpu.memory_space<semaphore_mem>>
          tpu.wait_indirect_dma semaphore(%dma_wait3A_237 : memref<!tpu.dma_semaphore, #tpu.memory_space<semaphore_mem>>) src(%dma_wait3A_229 : memref<128x64xf32, #tpu.memory_space<vmem>>) dst(%dma_wait3A_235 : memref<10112x64xf32, #tpu.memory_space<vmem_shared>>)
        } else {
        }
        %add3A_207 = arith.constant 2 : i32
        %add3A_208 = arith.addi %add3A_128, %add3A_207 : i32
        %dma_start3A_209 = arith.constant 0 : i32
        %dma_start3A_210 = arith.constant 0 : i32
        %dma_start3A_211 = arith.constant 0 : i32
        %dma_start3A_212 = arith.constant 0 : i32
        %dma_start3A_213 = tpu.memref_slice %arg10[%dma_start3A_209, %dma_start3A_211, %dma_start3A_212] : memref<3x128x64xf32, #tpu.memory_space<vmem>> -> memref<1x128x64xf32, #tpu.memory_space<vmem>>
        %dma_start3A_214 = tpu.memref_squeeze %dma_start3A_213 : memref<1x128x64xf32, #tpu.memory_space<vmem>> -> memref<128x64xf32, #tpu.memory_space<vmem>>
        %dma_start3A_215 = arith.constant 0 : i32
        %dma_start3A_216 = tpu.memref_slice %arg8[%add3A_208, %dma_start3A_215] : memref<159x128xi32, #tpu.memory_space<vmem>> -> memref<1x128xi32, #tpu.memory_space<vmem>>
        %dma_start3A_217 = tpu.memref_squeeze %dma_start3A_216 : memref<1x128xi32, #tpu.memory_space<vmem>> -> memref<128xi32, #tpu.memory_space<vmem>>
        %dma_start3A_218 = arith.constant 0 : i32
        %dma_start3A_219 = arith.constant 0 : i32
        %dma_start3A_220 = tpu.memref_slice %arg2[%dma_start3A_218, %dma_start3A_219] : memref<20000x64xf32, #tpu.memory_space<hbm>> -> memref<20000x64xf32, #tpu.memory_space<hbm>>
        %dma_start3A_221 = tpu.memref_slice %arg12[%dma_start3A_210] : memref<3x!tpu.dma_semaphore, #tpu.memory_space<semaphore_mem>> -> memref<1x!tpu.dma_semaphore, #tpu.memory_space<semaphore_mem>>
        %dma_start3A_222 = tpu.memref_squeeze %dma_start3A_221 : memref<1x!tpu.dma_semaphore, #tpu.memory_space<semaphore_mem>> -> memref<!tpu.dma_semaphore, #tpu.memory_space<semaphore_mem>>
        tpu.enqueue_indirect_dma source(%dma_start3A_220 : memref<20000x64xf32, #tpu.memory_space<hbm>>) target(%dma_start3A_214 : memref<128x64xf32, #tpu.memory_space<vmem>>) offsets(%dma_start3A_217 : memref<128xi32, #tpu.memory_space<vmem>>) semaphore(%dma_start3A_222 : memref<!tpu.dma_semaphore, #tpu.memory_space<semaphore_mem>>)
      } else {
      }
      %mul3A_164 = arith.constant 3 : i32
      %mul3A_165 = arith.muli %scan3A_87, %mul3A_164 : i32
      %add3A_166 = arith.constant 2 : i32
      %add3A_167 = arith.addi %mul3A_165, %add3A_166 : i32
      %dma_wait3A_168 = arith.constant 2 : i32
      %dma_wait3A_169 = arith.constant 2 : i32
      %dma_wait3A_170 = arith.constant 0 : i32
      %dma_wait3A_171 = arith.constant 0 : i32
      %dma_wait3A_172 = tpu.memref_slice %arg10[%dma_wait3A_168, %dma_wait3A_170, %dma_wait3A_171] : memref<3x128x64xf32, #tpu.memory_space<vmem>> -> memref<1x128x64xf32, #tpu.memory_space<vmem>>
      %dma_wait3A_173 = tpu.memref_squeeze %dma_wait3A_172 : memref<1x128x64xf32, #tpu.memory_space<vmem>> -> memref<128x64xf32, #tpu.memory_space<vmem>>
      %dma_wait3A_174 = arith.constant 0 : i32
      %dma_wait3A_175 = tpu.memref_slice %arg8[%add3A_167, %dma_wait3A_174] : memref<159x128xi32, #tpu.memory_space<vmem>> -> memref<1x128xi32, #tpu.memory_space<vmem>>
      %dma_wait3A_176 = tpu.memref_squeeze %dma_wait3A_175 : memref<1x128xi32, #tpu.memory_space<vmem>> -> memref<128xi32, #tpu.memory_space<vmem>>
      %dma_wait3A_177 = arith.constant 0 : i32
      %dma_wait3A_178 = arith.constant 0 : i32
      %dma_wait3A_179 = tpu.memref_slice %arg2[%dma_wait3A_177, %dma_wait3A_178] : memref<20000x64xf32, #tpu.memory_space<hbm>> -> memref<20000x64xf32, #tpu.memory_space<hbm>>
      %dma_wait3A_180 = tpu.memref_slice %arg12[%dma_wait3A_169] : memref<3x!tpu.dma_semaphore, #tpu.memory_space<semaphore_mem>> -> memref<1x!tpu.dma_semaphore, #tpu.memory_space<semaphore_mem>>
      %dma_wait3A_181 = tpu.memref_squeeze %dma_wait3A_180 : memref<1x!tpu.dma_semaphore, #tpu.memory_space<semaphore_mem>> -> memref<!tpu.dma_semaphore, #tpu.memory_space<semaphore_mem>>
      tpu.wait_indirect_dma semaphore(%dma_wait3A_181 : memref<!tpu.dma_semaphore, #tpu.memory_space<semaphore_mem>>) src(%dma_wait3A_179 : memref<20000x64xf32, #tpu.memory_space<hbm>>) dst(%dma_wait3A_173 : memref<128x64xf32, #tpu.memory_space<vmem>>)
      %dma_start3A_182 = arith.constant 2 : i32
      %dma_start3A_183 = arith.constant 2 : i32
      %dma_start3A_184 = arith.constant 0 : i32
      %dma_start3A_185 = arith.constant 0 : i32
      %dma_start3A_186 = tpu.memref_slice %arg10[%dma_start3A_182, %dma_start3A_184, %dma_start3A_185] : memref<3x128x64xf32, #tpu.memory_space<vmem>> -> memref<1x128x64xf32, #tpu.memory_space<vmem>>
      %dma_start3A_187 = tpu.memref_squeeze %dma_start3A_186 : memref<1x128x64xf32, #tpu.memory_space<vmem>> -> memref<128x64xf32, #tpu.memory_space<vmem>>
      %dma_start3A_188 = arith.constant 0 : i32
      %dma_start3A_189 = tpu.memref_slice %arg9[%add3A_167, %dma_start3A_188] : memref<159x128xi32, #tpu.memory_space<vmem>> -> memref<1x128xi32, #tpu.memory_space<vmem>>
      %dma_start3A_190 = tpu.memref_squeeze %dma_start3A_189 : memref<1x128xi32, #tpu.memory_space<vmem>> -> memref<128xi32, #tpu.memory_space<vmem>>
      %dma_start3A_191 = arith.constant 0 : i32
      %dma_start3A_192 = arith.constant 0 : i32
      %dma_start3A_193 = tpu.memref_slice %arg11[%dma_start3A_191, %dma_start3A_192] : memref<10112x64xf32, #tpu.memory_space<vmem_shared>> -> memref<10112x64xf32, #tpu.memory_space<vmem_shared>>
      %dma_start3A_194 = tpu.memref_slice %arg13[%dma_start3A_183] : memref<3x!tpu.dma_semaphore, #tpu.memory_space<semaphore_mem>> -> memref<1x!tpu.dma_semaphore, #tpu.memory_space<semaphore_mem>>
      %dma_start3A_195 = tpu.memref_squeeze %dma_start3A_194 : memref<1x!tpu.dma_semaphore, #tpu.memory_space<semaphore_mem>> -> memref<!tpu.dma_semaphore, #tpu.memory_space<semaphore_mem>>
      tpu.enqueue_indirect_dma source(%dma_start3A_187 : memref<128x64xf32, #tpu.memory_space<vmem>>) target(%dma_start3A_193 : memref<10112x64xf32, #tpu.memory_space<vmem_shared>>) offsets(%dma_start3A_190 : memref<128xi32, #tpu.memory_space<vmem>>) semaphore(%dma_start3A_195 : memref<!tpu.dma_semaphore, #tpu.memory_space<semaphore_mem>>) {add = true}
      %add3A_196 = arith.constant 2 : i32
      %add3A_197 = arith.addi %add3A_167, %add3A_196 : i32
      %lt3A_198 = arith.constant 159 : i32
      %lt3A_199 = arith.cmpi slt, %add3A_197, %lt3A_198 : i32
      %convert_element_type3A_200 = arith.extui %lt3A_199 : i1 to i32
      %cond3A_201 = arith.constant 0 : i32
      %cond3A_202 = arith.cmpi ne, %convert_element_type3A_200, %cond3A_201 : i32
      scf.if %cond3A_202 {
        %ge3A = arith.constant 1 : i32
        %ge3A_203 = arith.cmpi sge, %add3A_167, %ge3A : i32
        %convert_element_type3A_204 = arith.extui %ge3A_203 : i1 to i32
        %cond3A_205 = arith.constant 0 : i32
        %cond3A_206 = arith.cmpi ne, %convert_element_type3A_204, %cond3A_205 : i32
        scf.if %cond3A_206 {
          %sub3A = arith.constant 1 : i32
          %sub3A_223 = arith.subi %add3A_167, %sub3A : i32
          %dma_wait3A_224 = arith.constant 1 : i32
          %dma_wait3A_225 = arith.constant 1 : i32
          %dma_wait3A_226 = arith.constant 0 : i32
          %dma_wait3A_227 = arith.constant 0 : i32
          %dma_wait3A_228 = tpu.memref_slice %arg10[%dma_wait3A_224, %dma_wait3A_226, %dma_wait3A_227] : memref<3x128x64xf32, #tpu.memory_space<vmem>> -> memref<1x128x64xf32, #tpu.memory_space<vmem>>
          %dma_wait3A_229 = tpu.memref_squeeze %dma_wait3A_228 : memref<1x128x64xf32, #tpu.memory_space<vmem>> -> memref<128x64xf32, #tpu.memory_space<vmem>>
          %dma_wait3A_230 = arith.constant 0 : i32
          %dma_wait3A_231 = tpu.memref_slice %arg9[%sub3A_223, %dma_wait3A_230] : memref<159x128xi32, #tpu.memory_space<vmem>> -> memref<1x128xi32, #tpu.memory_space<vmem>>
          %dma_wait3A_232 = tpu.memref_squeeze %dma_wait3A_231 : memref<1x128xi32, #tpu.memory_space<vmem>> -> memref<128xi32, #tpu.memory_space<vmem>>
          %dma_wait3A_233 = arith.constant 0 : i32
          %dma_wait3A_234 = arith.constant 0 : i32
          %dma_wait3A_235 = tpu.memref_slice %arg11[%dma_wait3A_233, %dma_wait3A_234] : memref<10112x64xf32, #tpu.memory_space<vmem_shared>> -> memref<10112x64xf32, #tpu.memory_space<vmem_shared>>
          %dma_wait3A_236 = tpu.memref_slice %arg13[%dma_wait3A_225] : memref<3x!tpu.dma_semaphore, #tpu.memory_space<semaphore_mem>> -> memref<1x!tpu.dma_semaphore, #tpu.memory_space<semaphore_mem>>
          %dma_wait3A_237 = tpu.memref_squeeze %dma_wait3A_236 : memref<1x!tpu.dma_semaphore, #tpu.memory_space<semaphore_mem>> -> memref<!tpu.dma_semaphore, #tpu.memory_space<semaphore_mem>>
          tpu.wait_indirect_dma semaphore(%dma_wait3A_237 : memref<!tpu.dma_semaphore, #tpu.memory_space<semaphore_mem>>) src(%dma_wait3A_229 : memref<128x64xf32, #tpu.memory_space<vmem>>) dst(%dma_wait3A_235 : memref<10112x64xf32, #tpu.memory_space<vmem_shared>>)
        } else {
        }
        %add3A_207 = arith.constant 2 : i32
        %add3A_208 = arith.addi %add3A_167, %add3A_207 : i32
        %dma_start3A_209 = arith.constant 1 : i32
        %dma_start3A_210 = arith.constant 1 : i32
        %dma_start3A_211 = arith.constant 0 : i32
        %dma_start3A_212 = arith.constant 0 : i32
        %dma_start3A_213 = tpu.memref_slice %arg10[%dma_start3A_209, %dma_start3A_211, %dma_start3A_212] : memref<3x128x64xf32, #tpu.memory_space<vmem>> -> memref<1x128x64xf32, #tpu.memory_space<vmem>>
        %dma_start3A_214 = tpu.memref_squeeze %dma_start3A_213 : memref<1x128x64xf32, #tpu.memory_space<vmem>> -> memref<128x64xf32, #tpu.memory_space<vmem>>
        %dma_start3A_215 = arith.constant 0 : i32
        %dma_start3A_216 = tpu.memref_slice %arg8[%add3A_208, %dma_start3A_215] : memref<159x128xi32, #tpu.memory_space<vmem>> -> memref<1x128xi32, #tpu.memory_space<vmem>>
        %dma_start3A_217 = tpu.memref_squeeze %dma_start3A_216 : memref<1x128xi32, #tpu.memory_space<vmem>> -> memref<128xi32, #tpu.memory_space<vmem>>
        %dma_start3A_218 = arith.constant 0 : i32
        %dma_start3A_219 = arith.constant 0 : i32
        %dma_start3A_220 = tpu.memref_slice %arg2[%dma_start3A_218, %dma_start3A_219] : memref<20000x64xf32, #tpu.memory_space<hbm>> -> memref<20000x64xf32, #tpu.memory_space<hbm>>
        %dma_start3A_221 = tpu.memref_slice %arg12[%dma_start3A_210] : memref<3x!tpu.dma_semaphore, #tpu.memory_space<semaphore_mem>> -> memref<1x!tpu.dma_semaphore, #tpu.memory_space<semaphore_mem>>
        %dma_start3A_222 = tpu.memref_squeeze %dma_start3A_221 : memref<1x!tpu.dma_semaphore, #tpu.memory_space<semaphore_mem>> -> memref<!tpu.dma_semaphore, #tpu.memory_space<semaphore_mem>>
        tpu.enqueue_indirect_dma source(%dma_start3A_220 : memref<20000x64xf32, #tpu.memory_space<hbm>>) target(%dma_start3A_214 : memref<128x64xf32, #tpu.memory_space<vmem>>) offsets(%dma_start3A_217 : memref<128xi32, #tpu.memory_space<vmem>>) semaphore(%dma_start3A_222 : memref<!tpu.dma_semaphore, #tpu.memory_space<semaphore_mem>>)
      } else {
      }
    }
    %scan3A_34 = arith.constant 53 : i32
    %dma_wait3A = arith.constant 0 : i32
    %dma_wait3A_35 = arith.constant 156 : i32
    %dma_wait3A_36 = arith.constant 0 : i32
    %dma_wait3A_37 = arith.constant 0 : i32
    %dma_wait3A_38 = arith.constant 0 : i32
    %dma_wait3A_39 = tpu.memref_slice %arg10[%dma_wait3A, %dma_wait3A_37, %dma_wait3A_38] : memref<3x128x64xf32, #tpu.memory_space<vmem>> -> memref<1x128x64xf32, #tpu.memory_space<vmem>>
    %dma_wait3A_40 = tpu.memref_squeeze %dma_wait3A_39 : memref<1x128x64xf32, #tpu.memory_space<vmem>> -> memref<128x64xf32, #tpu.memory_space<vmem>>
    %dma_wait3A_41 = arith.constant 0 : i32
    %dma_wait3A_42 = tpu.memref_slice %arg9[%dma_wait3A_35, %dma_wait3A_41] : memref<159x128xi32, #tpu.memory_space<vmem>> -> memref<1x128xi32, #tpu.memory_space<vmem>>
    %dma_wait3A_43 = tpu.memref_squeeze %dma_wait3A_42 : memref<1x128xi32, #tpu.memory_space<vmem>> -> memref<128xi32, #tpu.memory_space<vmem>>
    %dma_wait3A_44 = arith.constant 0 : i32
    %dma_wait3A_45 = arith.constant 0 : i32
    %dma_wait3A_46 = tpu.memref_slice %arg11[%dma_wait3A_44, %dma_wait3A_45] : memref<10112x64xf32, #tpu.memory_space<vmem_shared>> -> memref<10112x64xf32, #tpu.memory_space<vmem_shared>>
    %dma_wait3A_47 = tpu.memref_slice %arg13[%dma_wait3A_36] : memref<3x!tpu.dma_semaphore, #tpu.memory_space<semaphore_mem>> -> memref<1x!tpu.dma_semaphore, #tpu.memory_space<semaphore_mem>>
    %dma_wait3A_48 = tpu.memref_squeeze %dma_wait3A_47 : memref<1x!tpu.dma_semaphore, #tpu.memory_space<semaphore_mem>> -> memref<!tpu.dma_semaphore, #tpu.memory_space<semaphore_mem>>
    tpu.wait_indirect_dma semaphore(%dma_wait3A_48 : memref<!tpu.dma_semaphore, #tpu.memory_space<semaphore_mem>>) src(%dma_wait3A_40 : memref<128x64xf32, #tpu.memory_space<vmem>>) dst(%dma_wait3A_46 : memref<10112x64xf32, #tpu.memory_space<vmem_shared>>)
    %dma_wait3A_49 = arith.constant 1 : i32
    %dma_wait3A_50 = arith.constant 157 : i32
    %dma_wait3A_51 = arith.constant 1 : i32
    %dma_wait3A_52 = arith.constant 0 : i32
    %dma_wait3A_53 = arith.constant 0 : i32
    %dma_wait3A_54 = tpu.memref_slice %arg10[%dma_wait3A_49, %dma_wait3A_52, %dma_wait3A_53] : memref<3x128x64xf32, #tpu.memory_space<vmem>> -> memref<1x128x64xf32, #tpu.memory_space<vmem>>
    %dma_wait3A_55 = tpu.memref_squeeze %dma_wait3A_54 : memref<1x128x64xf32, #tpu.memory_space<vmem>> -> memref<128x64xf32, #tpu.memory_space<vmem>>
    %dma_wait3A_56 = arith.constant 0 : i32
    %dma_wait3A_57 = tpu.memref_slice %arg9[%dma_wait3A_50, %dma_wait3A_56] : memref<159x128xi32, #tpu.memory_space<vmem>> -> memref<1x128xi32, #tpu.memory_space<vmem>>
    %dma_wait3A_58 = tpu.memref_squeeze %dma_wait3A_57 : memref<1x128xi32, #tpu.memory_space<vmem>> -> memref<128xi32, #tpu.memory_space<vmem>>
    %dma_wait3A_59 = arith.constant 0 : i32
    %dma_wait3A_60 = arith.constant 0 : i32
    %dma_wait3A_61 = tpu.memref_slice %arg11[%dma_wait3A_59, %dma_wait3A_60] : memref<10112x64xf32, #tpu.memory_space<vmem_shared>> -> memref<10112x64xf32, #tpu.memory_space<vmem_shared>>
    %dma_wait3A_62 = tpu.memref_slice %arg13[%dma_wait3A_51] : memref<3x!tpu.dma_semaphore, #tpu.memory_space<semaphore_mem>> -> memref<1x!tpu.dma_semaphore, #tpu.memory_space<semaphore_mem>>
    %dma_wait3A_63 = tpu.memref_squeeze %dma_wait3A_62 : memref<1x!tpu.dma_semaphore, #tpu.memory_space<semaphore_mem>> -> memref<!tpu.dma_semaphore, #tpu.memory_space<semaphore_mem>>
    tpu.wait_indirect_dma semaphore(%dma_wait3A_63 : memref<!tpu.dma_semaphore, #tpu.memory_space<semaphore_mem>>) src(%dma_wait3A_55 : memref<128x64xf32, #tpu.memory_space<vmem>>) dst(%dma_wait3A_61 : memref<10112x64xf32, #tpu.memory_space<vmem_shared>>)
    %dma_wait3A_64 = arith.constant 2 : i32
    %dma_wait3A_65 = arith.constant 158 : i32
    %dma_wait3A_66 = arith.constant 2 : i32
    %dma_wait3A_67 = arith.constant 0 : i32
    %dma_wait3A_68 = arith.constant 0 : i32
    %dma_wait3A_69 = tpu.memref_slice %arg10[%dma_wait3A_64, %dma_wait3A_67, %dma_wait3A_68] : memref<3x128x64xf32, #tpu.memory_space<vmem>> -> memref<1x128x64xf32, #tpu.memory_space<vmem>>
    %dma_wait3A_70 = tpu.memref_squeeze %dma_wait3A_69 : memref<1x128x64xf32, #tpu.memory_space<vmem>> -> memref<128x64xf32, #tpu.memory_space<vmem>>
    %dma_wait3A_71 = arith.constant 0 : i32
    %dma_wait3A_72 = tpu.memref_slice %arg9[%dma_wait3A_65, %dma_wait3A_71] : memref<159x128xi32, #tpu.memory_space<vmem>> -> memref<1x128xi32, #tpu.memory_space<vmem>>
    %dma_wait3A_73 = tpu.memref_squeeze %dma_wait3A_72 : memref<1x128xi32, #tpu.memory_space<vmem>> -> memref<128xi32, #tpu.memory_space<vmem>>
    %dma_wait3A_74 = arith.constant 0 : i32
    %dma_wait3A_75 = arith.constant 0 : i32
    %dma_wait3A_76 = tpu.memref_slice %arg11[%dma_wait3A_74, %dma_wait3A_75] : memref<10112x64xf32, #tpu.memory_space<vmem_shared>> -> memref<10112x64xf32, #tpu.memory_space<vmem_shared>>
    %dma_wait3A_77 = tpu.memref_slice %arg13[%dma_wait3A_66] : memref<3x!tpu.dma_semaphore, #tpu.memory_space<semaphore_mem>> -> memref<1x!tpu.dma_semaphore, #tpu.memory_space<semaphore_mem>>
    %dma_wait3A_78 = tpu.memref_squeeze %dma_wait3A_77 : memref<1x!tpu.dma_semaphore, #tpu.memory_space<semaphore_mem>> -> memref<!tpu.dma_semaphore, #tpu.memory_space<semaphore_mem>>
    tpu.wait_indirect_dma semaphore(%dma_wait3A_78 : memref<!tpu.dma_semaphore, #tpu.memory_space<semaphore_mem>>) src(%dma_wait3A_70 : memref<128x64xf32, #tpu.memory_space<vmem>>) dst(%dma_wait3A_76 : memref<10112x64xf32, #tpu.memory_space<vmem_shared>>)
    %barrier3A_79 = arith.constant 0 : index
    tpu.barrier barrier_id(%barrier3A_79)
    %eq3A = arith.constant 0 : i32
    %eq3A_80 = arith.cmpi eq, %arg0, %eq3A : i32
    %convert_element_type3A = arith.extui %eq3A_80 : i1 to i32
    %cond3A = arith.constant 0 : i32
    %cond3A_81 = arith.cmpi ne, %convert_element_type3A, %cond3A : i32
    scf.if %cond3A_81 {
      "tpu.region"() ({
        %run_scoped3A = tpu.sem_alloc : memref<!tpu.dma_semaphore, #tpu.memory_space<semaphore_mem>>
        %dma_start3A_87 = arith.constant 0 : i32
        %dma_start3A_88 = tpu.memref_slice %arg6[%mul3A_0, %dma_start3A_87] : memref<10112x64xf32, #tpu.memory_space<hbm>> -> memref<632x64xf32, #tpu.memory_space<hbm>>
        %dma_start3A_89 = arith.constant 0 : i32
        %dma_start3A_90 = tpu.memref_slice %arg11[%mul3A_0, %dma_start3A_89] : memref<10112x64xf32, #tpu.memory_space<vmem_shared>> -> memref<632x64xf32, #tpu.memory_space<vmem_shared>>
        tpu.enqueue_dma source(%dma_start3A_90 : memref<632x64xf32, #tpu.memory_space<vmem_shared>>) target(%dma_start3A_88 : memref<632x64xf32, #tpu.memory_space<hbm>>) target_semaphore(%run_scoped3A : memref<!tpu.dma_semaphore, #tpu.memory_space<semaphore_mem>>)
        %dma_wait3A_91 = arith.constant 0 : i32
        %dma_wait3A_92 = tpu.memref_slice %arg6[%mul3A_0, %dma_wait3A_91] : memref<10112x64xf32, #tpu.memory_space<hbm>> -> memref<632x64xf32, #tpu.memory_space<hbm>>
        %dma_wait3A_93 = arith.constant 0 : i32
        %dma_wait3A_94 = tpu.memref_slice %arg11[%mul3A_0, %dma_wait3A_93] : memref<10112x64xf32, #tpu.memory_space<vmem_shared>> -> memref<632x64xf32, #tpu.memory_space<vmem_shared>>
        tpu.wait_dma2 semaphore(%run_scoped3A : memref<!tpu.dma_semaphore, #tpu.memory_space<semaphore_mem>>) src(%dma_wait3A_94 : memref<632x64xf32, #tpu.memory_space<vmem_shared>>) dst(%dma_wait3A_92 : memref<632x64xf32, #tpu.memory_space<hbm>>)
        tpu.yield
      }) : () -> ()
    } else {
    }
    %eq3A_82 = arith.constant 1 : i32
    %eq3A_83 = arith.cmpi eq, %arg0, %eq3A_82 : i32
    %convert_element_type3A_84 = arith.extui %eq3A_83 : i1 to i32
    %cond3A_85 = arith.constant 0 : i32
    %cond3A_86 = arith.cmpi ne, %convert_element_type3A_84, %cond3A_85 : i32
    scf.if %cond3A_86 {
      "tpu.region"() ({
        %run_scoped3A = tpu.sem_alloc : memref<!tpu.dma_semaphore, #tpu.memory_space<semaphore_mem>>
        %dma_start3A_87 = arith.constant 0 : i32
        %dma_start3A_88 = tpu.memref_slice %arg7[%mul3A_0, %dma_start3A_87] : memref<10112x64xf32, #tpu.memory_space<hbm>> -> memref<632x64xf32, #tpu.memory_space<hbm>>
        %dma_start3A_89 = arith.constant 0 : i32
        %dma_start3A_90 = tpu.memref_slice %arg11[%mul3A_0, %dma_start3A_89] : memref<10112x64xf32, #tpu.memory_space<vmem_shared>> -> memref<632x64xf32, #tpu.memory_space<vmem_shared>>
        tpu.enqueue_dma source(%dma_start3A_90 : memref<632x64xf32, #tpu.memory_space<vmem_shared>>) target(%dma_start3A_88 : memref<632x64xf32, #tpu.memory_space<hbm>>) target_semaphore(%run_scoped3A : memref<!tpu.dma_semaphore, #tpu.memory_space<semaphore_mem>>)
        %dma_wait3A_91 = arith.constant 0 : i32
        %dma_wait3A_92 = tpu.memref_slice %arg7[%mul3A_0, %dma_wait3A_91] : memref<10112x64xf32, #tpu.memory_space<hbm>> -> memref<632x64xf32, #tpu.memory_space<hbm>>
        %dma_wait3A_93 = arith.constant 0 : i32
        %dma_wait3A_94 = tpu.memref_slice %arg11[%mul3A_0, %dma_wait3A_93] : memref<10112x64xf32, #tpu.memory_space<vmem_shared>> -> memref<632x64xf32, #tpu.memory_space<vmem_shared>>
        tpu.wait_dma2 semaphore(%run_scoped3A : memref<!tpu.dma_semaphore, #tpu.memory_space<semaphore_mem>>) src(%dma_wait3A_94 : memref<632x64xf32, #tpu.memory_space<vmem_shared>>) dst(%dma_wait3A_92 : memref<632x64xf32, #tpu.memory_space<hbm>>)
        tpu.yield
      }) : () -> ()
    } else {
    }
    return
  }
}

module attributes {stable_mosaic.version = 14 : i64} {
  func.func @_tc_body(%arg0: i32, %arg1: memref<1000x128xf32, #tpu.memory_space<vmem>>, %arg2: memref<1000x64xf32, #tpu.memory_space<vmem>>, %arg3: memref<1000x64xf32, #tpu.memory_space<vmem>>, %arg4: memref<2x1000x16xf32, #tpu.memory_space<vmem>>, %arg5: memref<2x1000x8xf32, #tpu.memory_space<vmem>>, %arg6: memref<64x128xf32, #tpu.memory_space<vmem>>, %arg7: memref<64x128xf32, #tpu.memory_space<vmem>>, %arg8: memref<16x128xf32, #tpu.memory_space<vmem>>, %arg9: memref<1x128xf32, #tpu.memory_space<vmem>>, %arg10: memref<128x128xf32, #tpu.memory_space<vmem>>, %arg11: memref<128x128xf32, #tpu.memory_space<vmem>>, %arg12: memref<1x128xf32, #tpu.memory_space<vmem>>, %arg13: memref<1000x128xf32, #tpu.memory_space<vmem>>) attributes {dimension_semantics = [#tpu.dimension_semantics<arbitrary>], iteration_bounds = array<i64: 10>, scalar_prefetch = 0 : i64, scratch_operands = 0 : i64, tpu.core_type = #tpu.core_type<tc>, window_params = [{transform_indices = @transform_0, window_bounds = array<i64: 1000, 128>}, {transform_indices = @transform_1, window_bounds = array<i64: 1000, 64>}, {transform_indices = @transform_2, window_bounds = array<i64: 1000, 64>}, {transform_indices = @transform_3, window_bounds = array<i64: 2, 1000, 16>}, {transform_indices = @transform_4, window_bounds = array<i64: 2, 1000, 8>}, {pipeline_mode = #tpu.pipeline_mode<synchronous>, transform_indices = @transform_5, window_bounds = array<i64: 64, 128>}, {pipeline_mode = #tpu.pipeline_mode<synchronous>, transform_indices = @transform_6, window_bounds = array<i64: 64, 128>}, {pipeline_mode = #tpu.pipeline_mode<synchronous>, transform_indices = @transform_7, window_bounds = array<i64: 16, 128>}, {pipeline_mode = #tpu.pipeline_mode<synchronous>, transform_indices = @transform_8, window_bounds = array<i64: 1, 128>}, {pipeline_mode = #tpu.pipeline_mode<synchronous>, transform_indices = @transform_9, window_bounds = array<i64: 128, 128>}, {pipeline_mode = #tpu.pipeline_mode<synchronous>, transform_indices = @transform_10, window_bounds = array<i64: 128, 128>}, {pipeline_mode = #tpu.pipeline_mode<synchronous>, transform_indices = @transform_11, window_bounds = array<i64: 1, 128>}, {transform_indices = @transform_12, window_bounds = array<i64: 1000, 128>}]} {
    %get3A = arith.constant 0 : index
    %get3A_0 = arith.constant 0 : index
    %get3A_1 = arith.constant 0 : index
    %get3A_2 = vector.load %arg5[%get3A, %get3A_0, %get3A_1] : memref<2x1000x8xf32, #tpu.memory_space<vmem>>, vector<1x1000x8xf32>
    %get3A_3 = vector.shape_cast %get3A_2 : vector<1x1000x8xf32> to vector<1000x8xf32>
    %get3A_4 = arith.constant 1 : index
    %get3A_5 = arith.constant 0 : index
    %get3A_6 = arith.constant 0 : index
    %get3A_7 = vector.load %arg5[%get3A_4, %get3A_5, %get3A_6] : memref<2x1000x8xf32, #tpu.memory_space<vmem>>, vector<1x1000x8xf32>
    %get3A_8 = vector.shape_cast %get3A_7 : vector<1x1000x8xf32> to vector<1000x8xf32>
    %add3A = arith.addf %get3A_3, %get3A_8 : vector<1000x8xf32>
    %slice3A = vector.extract_strided_slice %add3A {offsets = [0, 0], sizes = [1000, 1], strides = [1, 1]} : vector<1000x8xf32> to vector<1000x1xf32>
    %get3A_9 = arith.constant 0 : index
    %get3A_10 = arith.constant 0 : index
    %get3A_11 = arith.constant 0 : index
    %get3A_12 = vector.load %arg4[%get3A_9, %get3A_10, %get3A_11] : memref<2x1000x16xf32, #tpu.memory_space<vmem>>, vector<1x1000x16xf32>
    %get3A_13 = vector.shape_cast %get3A_12 : vector<1x1000x16xf32> to vector<1000x16xf32>
    %get3A_14 = arith.constant 1 : index
    %get3A_15 = arith.constant 0 : index
    %get3A_16 = arith.constant 0 : index
    %get3A_17 = vector.load %arg4[%get3A_14, %get3A_15, %get3A_16] : memref<2x1000x16xf32, #tpu.memory_space<vmem>>, vector<1x1000x16xf32>
    %get3A_18 = vector.shape_cast %get3A_17 : vector<1x1000x16xf32> to vector<1000x16xf32>
    %add3A_19 = arith.addf %get3A_13, %get3A_18 : vector<1000x16xf32>
    %get3A_20 = arith.constant 0 : index
    %get3A_21 = arith.constant 0 : index
    %get3A_22 = vector.load %arg2[%get3A_20, %get3A_21] : memref<1000x64xf32, #tpu.memory_space<vmem>>, vector<1000x64xf32>
    %get3A_23 = arith.constant 0 : index
    %get3A_24 = arith.constant 0 : index
    %get3A_25 = vector.load %arg6[%get3A_23, %get3A_24] : memref<64x128xf32, #tpu.memory_space<vmem>>, vector<64x128xf32>
    %dot_general3A = arith.constant dense<0.000000e+00> : vector<1000x128xf32>
    %dot_general3A_26 = tpu.matmul %get3A_22, %get3A_25, %dot_general3A {dimension_numbers = #tpu.dot_dimension_numbers<[1], [0], [0], [1], [0, 0, 1, 1], [], []>, transpose_lhs_hint = false} : vector<1000x64xf32>, vector<64x128xf32>, vector<1000x128xf32> -> vector<1000x128xf32>
    %get3A_27 = arith.constant 0 : index
    %get3A_28 = arith.constant 0 : index
    %get3A_29 = vector.load %arg3[%get3A_27, %get3A_28] : memref<1000x64xf32, #tpu.memory_space<vmem>>, vector<1000x64xf32>
    %get3A_30 = arith.constant 0 : index
    %get3A_31 = arith.constant 0 : index
    %get3A_32 = vector.load %arg7[%get3A_30, %get3A_31] : memref<64x128xf32, #tpu.memory_space<vmem>>, vector<64x128xf32>
    %dot_general3A_33 = arith.constant dense<0.000000e+00> : vector<1000x128xf32>
    %dot_general3A_34 = tpu.matmul %get3A_29, %get3A_32, %dot_general3A_33 {dimension_numbers = #tpu.dot_dimension_numbers<[1], [0], [0], [1], [0, 0, 1, 1], [], []>, transpose_lhs_hint = false} : vector<1000x64xf32>, vector<64x128xf32>, vector<1000x128xf32> -> vector<1000x128xf32>
    %add3A_35 = arith.addf %dot_general3A_26, %dot_general3A_34 : vector<1000x128xf32>
    %get3A_36 = arith.constant 0 : index
    %get3A_37 = arith.constant 0 : index
    %get3A_38 = vector.load %arg8[%get3A_36, %get3A_37] : memref<16x128xf32, #tpu.memory_space<vmem>>, vector<16x128xf32>
    %dot_general3A_39 = arith.constant dense<0.000000e+00> : vector<1000x128xf32>
    %dot_general3A_40 = tpu.matmul %add3A_19, %get3A_38, %dot_general3A_39 {dimension_numbers = #tpu.dot_dimension_numbers<[1], [0], [0], [1], [0, 0, 1, 1], [], []>, transpose_lhs_hint = false} : vector<1000x16xf32>, vector<16x128xf32>, vector<1000x128xf32> -> vector<1000x128xf32>
    %add3A_41 = arith.addf %add3A_35, %dot_general3A_40 : vector<1000x128xf32>
    %get3A_42 = arith.constant 0 : index
    %get3A_43 = arith.constant 0 : index
    %get3A_44 = vector.load %arg9[%get3A_42, %get3A_43] : memref<1x128xf32, #tpu.memory_space<vmem>>, vector<1x128xf32>
    %mul3A = vector.broadcast %slice3A : vector<1000x1xf32> to vector<1000x128xf32>
    %mul3A_45 = vector.broadcast %get3A_44 : vector<1x128xf32> to vector<1000x128xf32>
    %mul3A_46 = arith.mulf %mul3A, %mul3A_45 : vector<1000x128xf32>
    %add3A_47 = arith.addf %add3A_41, %mul3A_46 : vector<1000x128xf32>
    %max3A = arith.constant 1.000000e+00 : f32
    %max3A_48 = vector.broadcast %max3A : f32 to vector<1000x1xf32>
    %max3A_49 = arith.maximumf %slice3A, %max3A_48 : vector<1000x1xf32>
    %div3A = vector.broadcast %max3A_49 : vector<1000x1xf32> to vector<1000x128xf32>
    %div3A_50 = arith.divf %add3A_47, %div3A : vector<1000x128xf32>
    %get3A_51 = arith.constant 0 : index
    %get3A_52 = arith.constant 0 : index
    %get3A_53 = vector.load %arg1[%get3A_51, %get3A_52] : memref<1000x128xf32, #tpu.memory_space<vmem>>, vector<1000x128xf32>
    %get3A_54 = arith.constant 0 : index
    %get3A_55 = arith.constant 0 : index
    %get3A_56 = vector.load %arg10[%get3A_54, %get3A_55] : memref<128x128xf32, #tpu.memory_space<vmem>>, vector<128x128xf32>
    %dot_general3A_57 = arith.constant dense<0.000000e+00> : vector<1000x128xf32>
    %dot_general3A_58 = tpu.matmul %get3A_53, %get3A_56, %dot_general3A_57 {dimension_numbers = #tpu.dot_dimension_numbers<[1], [0], [0], [1], [0, 0, 1, 1], [], []>, transpose_lhs_hint = false} : vector<1000x128xf32>, vector<128x128xf32>, vector<1000x128xf32> -> vector<1000x128xf32>
    %get3A_59 = arith.constant 0 : index
    %get3A_60 = arith.constant 0 : index
    %get3A_61 = vector.load %arg11[%get3A_59, %get3A_60] : memref<128x128xf32, #tpu.memory_space<vmem>>, vector<128x128xf32>
    %dot_general3A_62 = arith.constant dense<0.000000e+00> : vector<1000x128xf32>
    %dot_general3A_63 = tpu.matmul %div3A_50, %get3A_61, %dot_general3A_62 {dimension_numbers = #tpu.dot_dimension_numbers<[1], [0], [0], [1], [0, 0, 1, 1], [], []>, transpose_lhs_hint = false} : vector<1000x128xf32>, vector<128x128xf32>, vector<1000x128xf32> -> vector<1000x128xf32>
    %add3A_64 = arith.addf %dot_general3A_58, %dot_general3A_63 : vector<1000x128xf32>
    %get3A_65 = arith.constant 0 : index
    %get3A_66 = arith.constant 0 : index
    %get3A_67 = vector.load %arg12[%get3A_65, %get3A_66] : memref<1x128xf32, #tpu.memory_space<vmem>>, vector<1x128xf32>
    %add3A_68 = vector.broadcast %get3A_67 : vector<1x128xf32> to vector<1000x128xf32>
    %add3A_69 = arith.addf %add3A_64, %add3A_68 : vector<1000x128xf32>
    %max3A_70 = arith.constant 0.000000e+00 : f32
    %max3A_71 = vector.broadcast %max3A_70 : f32 to vector<1000x128xf32>
    %max3A_72 = arith.maximumf %add3A_69, %max3A_71 : vector<1000x128xf32>
    %swap3A = arith.constant 0 : index
    %swap3A_73 = arith.constant 0 : index
    %swap3A_74 = vector.load %arg13[%swap3A, %swap3A_73] : memref<1000x128xf32, #tpu.memory_space<vmem>>, vector<1000x128xf32>
    tpu.vector_store %arg13[%swap3A, %swap3A_73], %max3A_72 {strides = array<i32>} : memref<1000x128xf32, #tpu.memory_space<vmem>>, vector<1000x128xf32>,
    return
  }
  func.func @transform_0(%arg0: i32) -> (i32, i32) {
    %c0_i32 = arith.constant 0 : i32
    %c0_i32_0 = arith.constant 0 : i32
    return %arg0, %c0_i32 : i32, i32
  }
  func.func @transform_1(%arg0: i32) -> (i32, i32) {
    %c0_i32 = arith.constant 0 : i32
    %c0_i32_0 = arith.constant 0 : i32
    return %arg0, %c0_i32 : i32, i32
  }
  func.func @transform_2(%arg0: i32) -> (i32, i32) {
    %c0_i32 = arith.constant 0 : i32
    %c0_i32_0 = arith.constant 0 : i32
    return %arg0, %c0_i32 : i32, i32
  }
  func.func @transform_3(%arg0: i32) -> (i32, i32, i32) {
    %c0_i32 = arith.constant 0 : i32
    %c0_i32_0 = arith.constant 0 : i32
    %c0_i32_1 = arith.constant 0 : i32
    return %c0_i32, %arg0, %c0_i32_0 : i32, i32, i32
  }
  func.func @transform_4(%arg0: i32) -> (i32, i32, i32) {
    %c0_i32 = arith.constant 0 : i32
    %c0_i32_0 = arith.constant 0 : i32
    %c0_i32_1 = arith.constant 0 : i32
    return %c0_i32, %arg0, %c0_i32_0 : i32, i32, i32
  }
  func.func @transform_5(%arg0: i32) -> (i32, i32) {
    %c0_i32 = arith.constant 0 : i32
    %c0_i32_0 = arith.constant 0 : i32
    %c0_i32_1 = arith.constant 0 : i32
    return %c0_i32, %c0_i32_0 : i32, i32
  }
  func.func @transform_6(%arg0: i32) -> (i32, i32) {
    %c0_i32 = arith.constant 0 : i32
    %c0_i32_0 = arith.constant 0 : i32
    %c0_i32_1 = arith.constant 0 : i32
    return %c0_i32, %c0_i32_0 : i32, i32
  }
  func.func @transform_7(%arg0: i32) -> (i32, i32) {
    %c0_i32 = arith.constant 0 : i32
    %c0_i32_0 = arith.constant 0 : i32
    %c0_i32_1 = arith.constant 0 : i32
    return %c0_i32, %c0_i32_0 : i32, i32
  }
  func.func @transform_8(%arg0: i32) -> (i32, i32) {
    %c0_i32 = arith.constant 0 : i32
    %c0_i32_0 = arith.constant 0 : i32
    %c0_i32_1 = arith.constant 0 : i32
    return %c0_i32, %c0_i32_0 : i32, i32
  }
  func.func @transform_9(%arg0: i32) -> (i32, i32) {
    %c0_i32 = arith.constant 0 : i32
    %c0_i32_0 = arith.constant 0 : i32
    %c0_i32_1 = arith.constant 0 : i32
    return %c0_i32, %c0_i32_0 : i32, i32
  }
  func.func @transform_10(%arg0: i32) -> (i32, i32) {
    %c0_i32 = arith.constant 0 : i32
    %c0_i32_0 = arith.constant 0 : i32
    %c0_i32_1 = arith.constant 0 : i32
    return %c0_i32, %c0_i32_0 : i32, i32
  }
  func.func @transform_11(%arg0: i32) -> (i32, i32) {
    %c0_i32 = arith.constant 0 : i32
    %c0_i32_0 = arith.constant 0 : i32
    %c0_i32_1 = arith.constant 0 : i32
    return %c0_i32, %c0_i32_0 : i32, i32
  }
  func.func @transform_12(%arg0: i32) -> (i32, i32) {
    %c0_i32 = arith.constant 0 : i32
    %c0_i32_0 = arith.constant 0 : i32
    return %arg0, %c0_i32 : i32, i32
  }
}

</mosaic_0001>

<sc_bundles>
// kernel: kernel.5.cloned.1.call-start
scs
__scs_entry_jumppad:
0x0: {  	(pc) =	sbr.rel $0x88, $3  }
0x1: {  	(tag) =	ssettag $0x0;
	lr =	simm.s32 $0x1  }
0x2: {  	[smem:$0x3F9A] =	sst lr;
	_ =	strace $0xD0000000  }
0x3: {  	_ = 	snop  }
0x4: {  	_ = 	snop  }
0x5: {  	_ = 	snop  }
0x6: {  	_ = 	snop  }
0x7: {  	_ = 	snop  }
__scs_overlays_trampoline_lowered:
0x8: {  	[smem:$0x3FA9] =	sst s0  }
0x9: {  	[smem:$0x3FAA] =	sst s1  }
0xa: {  	[smem:$0x3FAB] =	sst s2  }
0xb: {  	[smem:$0x3FAC] =	sst s3  }
0xc: {  	[smem:$0x3FAD] =	sst s4  }
0xd: {  	[smem:$0x3FAE] =	sst s5  }
0xe: {  	[smem:$0x3FAF] =	sst s6  }
0xf: {  	[smem:$0x3FB0] =	sst s7  }
0x10: {  	[smem:$0x3FB1] =	sst s8  }
0x11: {  	[smem:$0x3FB2] =	sst s9;
	s0 =	simm.s32 @!p0 $0x0  }
0x12: {  	s1 =	sld [smem:$0x3F98];
	s0 =	simm.s32 @p0 $0x1  }
0x13: {  	[smem:$0x3FB3] =	sst s0;
	s0 =	simm.s32 @!p1 $0x0  }
0x14: {  	s2 =	sld [smem:$0x3F97];
	s0 =	simm.s32 @p1 $0x1  }
0x15: {  	[smem:$0x3FB4] =	sst s0;
	s0 =	simm.s32 @!p2 $0x0  }
0x16: {  	s3 =	sld [smem:$0x3FDB];
	s0 =	simm.s32 @p2 $0x1  }
0x17: {  	s4 =	simm.s32 $0x1BF5;
	[smem:$0x3FB6] =	sst s0  }
0x18: {  	s0 =	sld [smem:$0x3F99];
	_ =	swait.ge [sflag:s4], $0x0  }
0x19: {  	s7 =	sld [smem:$0x3F9A]  }
0x1a: {  	s8 =	sadd.s32 $0xFFFFE003, lr  }
0x1b: {  	s9 =	sadd.s32 $0xFFFFFEF7, lr;
	s5 =	simm.s32 $0xFFFFFFFF;
	p2 =	slt.u32 s8, $0xFFFFF086  }
0x1c: {  	p1 =	slt.u32 s9, $0xF7A;
	s5 =	simm.s32 @!p2 $0x0  }
0x1d: {  	s5 =	simm.s32 @p1 $0x1;
	p0 =	seq.s32 s7, s2  }
0x1e: {  	s7 =	smul.u32 @!p0 $0xF7A, s2;
	p2 =	seq.s32 @!p0 s5, $0x0  }
0x1f: {  	s9 =	smul.u32 $0xF7A, s1;
	s8 =	simm.s32 @!p0 $0x1BF5;
	p2 =	por !p2, p0  }
0x20: {  	[sflag:s8] =	ssyncset.s32 @!p0 $0xFFFFF086;
	s6 =	sadd.s32 @!p0 s3, s7;
	s7 =	simm.s32 @!p0 $0x108  }
0x21: {  	s3 =	sadd.s32 s3, s9;
	s6 =	sadd.s32 @!p0 $0x88, s6;
	s7 =	simm.s32 @p2 $0x1082  }
0x22: {  	[simem:s7], [sflag:s8] =	dma.local @!p0 [hbm:s6], $0xF7A  }
0x23: {  	s9 =	sor.u32 $0xD0000000, s2;
	s6 =	simm.s32 $0x108;
	_ =	swait.ge @!p0 [sflag:s8], $0x0  }
0x24: {  	s3 =	sadd.s32 $0x88, s3;
	s6 =	simm.s32 @!p1 $0x1082;
	[sflag:s4] =	ssyncset.s32 $0xFFFFF086  }
0x25: {  	[simem:s6], [sflag:s4] =	dma.local [hbm:s3], $0xF7A  }
0x26: {  	[smem:$0x3F9A] =	sst s1;
	(tag) =	ssettag s2;
	_ =	strace s9  }
0x27: {  	s1 =	sld [smem:$0x3FAA]  }
0x28: {  	s2 =	sld [smem:$0x3FAB]  }
0x29: {  	s4 =	sld [smem:$0x3FAD]  }
0x2a: {  	p0 =	seq.s32 s5, $0x0;
	s5 =	sld [smem:$0x3FAE]  }
0x2b: {  	s6 =	sld [smem:$0x3FAF]  }
0x2c: {  	s7 =	sld [smem:$0x3FB0]  }
0x2d: {  	s3 =	simm.s32 $0x108;
	s8 =	sld [smem:$0x3FB1]  }
0x2e: {  	s3 =	simm.s32 @!p0 $0x1082;
	s9 =	sld [smem:$0x3FB2]  }
0x2f: {  	lr =	sadd.s32 s0, s3;
	s0 =	sld [smem:$0x3FA9]  }
0x30: {  	s3 =	sld [smem:$0x3FAC]  }
0x31: {  	[smem:$0x3FB5] =	sst s10  }
0x32: {  	s10 =	sld [smem:$0x3FB3];
	_ =	sdelay $0x3  }
0x33: {  	p0 =	seq.s32 s10, $0x1;
	s10 =	sld [smem:$0x3FB5];
	_ =	sdelay $0x3  }
0x34: {  	[smem:$0x3FB5] =	sst s10  }
0x35: {  	s10 =	sld [smem:$0x3FB4];
	_ =	sdelay $0x3  }
0x36: {  	p1 =	seq.s32 s10, $0x1;
	s10 =	sld [smem:$0x3FB5];
	_ =	sdelay $0x3  }
0x37: {  	[smem:$0x3FB5] =	sst s10  }
0x38: {  	s10 =	sld [smem:$0x3FB6]  }
0x39: {  	_ = 	snop;
	(pc) =	sbr.ind lr, $3  }
0x3a: {  	_ = 	snop  }
0x3b: {  	_ = 	snop  }
0x3c: {  	p2 =	seq.s32 s10, $0x1;
	s10 =	sld [smem:$0x3FB5]  }
0x3d: {  	_ =	shalt  }
0x3e: {  	_ =	shalt  }
0x3f: {  	_ =	shalt  }
0x40: {  	_ =	shalt  }
0x41: {  	_ =	shalt  }
0x42: {  	_ =	shalt  }
0x43: {  	_ =	shalt  }
0x44: {  	_ =	shalt  }
0x45: {  	_ =	shalt  }
0x46: {  	_ =	shalt  }
0x47: {  	_ =	shalt  }
0x48: {  	_ =	shalt  }
0x49: {  	_ =	shalt  }
0x4a: {  	_ =	shalt  }
0x4b: {  	_ =	shalt  }
0x4c: {  	_ =	shalt  }
0x4d: {  	_ =	shalt  }
0x4e: {  	_ =	shalt  }
0x4f: {  	_ =	shalt  }
0x50: {  	_ =	shalt  }
0x51: {  	_ =	shalt  }
0x52: {  	_ =	shalt  }
0x53: {  	_ =	shalt  }
0x54: {  	_ =	shalt  }
0x55: {  	_ =	shalt  }
0x56: {  	_ =	shalt  }
0x57: {  	_ =	shalt  }
0x58: {  	_ =	shalt  }
0x59: {  	_ =	shalt  }
0x5a: {  	_ =	shalt  }
0x5b: {  	_ =	shalt  }
0x5c: {  	_ =	shalt  }
0x5d: {  	_ =	shalt  }
0x5e: {  	_ =	shalt  }
0x5f: {  	_ =	shalt  }
0x60: {  	_ =	shalt  }
0x61: {  	_ =	shalt  }
0x62: {  	_ =	shalt  }
0x63: {  	_ =	shalt  }
0x64: {  	_ =	shalt  }
0x65: {  	_ =	shalt  }
0x66: {  	_ =	shalt  }
0x67: {  	_ =	shalt  }
0x68: {  	_ =	shalt  }
0x69: {  	_ =	shalt  }
0x6a: {  	_ =	shalt  }
0x6b: {  	_ =	shalt  }
0x6c: {  	_ =	shalt  }
0x6d: {  	_ =	shalt  }
0x6e: {  	_ =	shalt  }
0x6f: {  	_ =	shalt  }
0x70: {  	_ =	shalt  }
0x71: {  	_ =	shalt  }
0x72: {  	_ =	shalt  }
0x73: {  	_ =	shalt  }
0x74: {  	_ =	shalt  }
0x75: {  	_ =	shalt  }
0x76: {  	_ =	shalt  }
0x77: {  	_ =	shalt  }
0x78: {  	_ =	shalt  }
0x79: {  	_ =	shalt  }
0x7a: {  	_ =	shalt  }
0x7b: {  	_ =	shalt  }
0x7c: {  	_ =	shalt  }
0x7d: {  	_ =	shalt  }
0x7e: {  	_ =	shalt  }
0x7f: {  	_ =	shalt  }
0x80: {  	_ =	shalt  }
0x81: {  	_ =	shalt  }
0x82: {  	_ =	shalt  }
0x83: {  	_ =	shalt  }
0x84: {  	_ =	shalt  }
0x85: {  	_ =	shalt  }
0x86: {  	_ =	shalt  }
0x87: {  	_ =	shalt  }
.Lfunc_end0:
.L_simem_size_0:
called_computation_lowered:
.L_overlay_start_0:
0x88: {  	s2 =	sld [smem:$0x3FD9]  }
0x89: {  	s3 =	sld [smem:$0x3FFE];
	_ =	sdelay $0x1  }
0x8a: {  	s1 =	srdreg.scid  }
0x8b: {  	s0 =	sand.u32 $0x1, s1  }
0x8c: {  	s17 =	sshll.u32 s0, $0xA;
	s2 =	sadd.s32 s3, s2  }
0x8d: {  	s2 =	sadd.s32 s2, s17  }
0x8e: {  	[smem:$0x3FC1] =	sst s2  }
0x8f: {  	_ = 	snop  }
0x90: {  	s2 =	sld [smem:$0x3FD0];
	(tm) =	ssettm $0x1  }
0x91: {  	s18 =	sld [smem:$0x3FFB];
	_ =	sdelay $0x3  }
0x92: {  	_ =	strace s18  }
0x93: {  	s3 =	sld [smem:$0x3FFC];
	_ =	sdelay $0x3  }
0x94: {  	_ =	strace s3  }
0x95: {  	s3 =	sld [smem:$0x3FFD];
	_ =	sdelay $0x3  }
0x96: {  	_ =	strace s3  }
0x97: {  	_ =	strace $0x8FFFFFFF  }
0x98: {  	s19 =	sld [smem:$0x3FDB];
	_ =	sdelay $0x1  }
0x99: {  	s4 =	simm.s32 $_scs_section_size  }
0x9a: {  	s5 =	simm.s32 $_size__tile_overlayer_lowered;
	s6 =	simm.s32 $_tile_overlayer_lowered  }
0x9b: {  	s22 =	simm.s32 $0x1BFF;
	s21 =	sshll.u32 s6, $0x1;
	s3 =	sadd.s32 s4, s19  }
0x9c: {  	s7 =	simm.s32 $0x0;
	s20 =	sshll.u32 s5, $0x1;
	s5 =	sadd.s32 s21, s3  }
0x9d: {  	[timem:s7], [sflag:s22] =	dma.local [hbm:s5], s20  }
0x9e: {  	_ =	swait.ge [sflag:s22], s20  }
0x9f: {  	s4 =	ssub.s32 $0x0, s20;
	[sflag:s22] =	ssyncset.done $0x0  }
0xa0: {  	[sflag:s22] =	ssyncadd.s32 s4;
	_ =	sdelay $0x1  }
0xa1: {  	s23 =	simm.s32 $0x1B8B  }
0xa2: {  	_ =	swait.ge [sflag:s23], $0x1  }
0xa3: {  	[sflag:s23] =	ssyncset.done $0x0  }
0xa4: {  	s25 =	simm.s32 $0x1B8E;
	s24 =	sld [smem:$0x3FFE];
	[sflag:s23] =	ssyncadd.s32 $0xFFFFFFFF  }
0xa5: {  	s26 =	simm.s32 $execute0_lowered;
	[smem:$0x3FD2] =	sst s25  }
0xa6: {  	s5 =	sshll.u32 s26, $0x1;
	_ =	strace $0x80000046;
	[dreg:$0x1] =	wrdreg $0xFFFFFFFF  }
0xa7: {  	s28 =	simm.s32 $_size_execute0_lowered;
	s3 =	sadd.s32 s3, s5;
	[dreg:$0x0] =	wrdreg $0x0  }
0xa8: {  	s5 =	sshll.u32 s28, $0x1;
	[dreg:$0x2] =	wrdreg s3  }
0xa9: {  	[dreg:$0x3] =	wrdreg s5  }
0xaa: {  	[dreg:$0x4] =	wrdreg $0xC0  }
0xab: {  	_ =	task [dreg:s7], $0x5FFFF  }
0xac: {  	[dreg:$0x1] =	wrdreg $0xFFFFFFFF  }
0xad: {  	[dreg:$0x0] =	wrdreg $0x60  }
0xae: {  	[dreg:$0x2] =	wrdreg s2  }
0xaf: {  	[dreg:$0x3] =	wrdreg s24  }
0xb0: {  	[dreg:$0x4] =	wrdreg $0xFF000  }
0xb1: {  	[dreg:$0x5] =	wrdreg $0x9  }
0xb2: {  	_ =	task.clear_ibuf [dreg:s7], $0x6FFFF;
	_ =	strace $0x90000046  }
0xb3: {  	s29 =	simm.s32 $0x9;
	_ =	strace $0x80000048  }
0xb4: {  	_ =	swait.ge [sflag:s29], $0x1  }
0xb5: {  	[sflag:s29] =	ssyncadd.s32 $0xFFFFFFFF  }
0xb6: {  	_ =	strace $0x90000048  }
0xb7: {  	_ =	sfence  }
0xb8: {  	s30 =	sld [smem:$0x0];
	_ =	sdelay $0x2  }
0xb9: {  	s31 =	sshll.u32 s1, $0xD;
	s1 =	sshrl.u32 s1, $0x2  }
0xba: {  	s3 =	sand.u32 $0x4000, s31;
	s1 =	sadd.s32 s1, s30  }
0xbb: {  	s0 =	sor.u32 s3, s0;
	s1 =	sshll.u32 s1, $0x11  }
0xbc: {  	s0 =	sor.u32 s1, s0  }
0xbd: {  	s0 =	sadd.s32 $0x8F2B, s0  }
0xbe: {  	[sflag:s0] =	ssyncadd.remote.s32 $0x1  }
0xbf: {  	_ =	sfence.sel $0xFFFF  }
0xc0: {  	[dreg:$0x0] =	wrdreg $0xFFFFFFFF;
	(pc) =	sbr.abs _section_cstart, $3  }
0xc1: {  	[dreg:$0x1] =	wrdreg $0xFFFFFFFF  }
0xc2: {  	_ =	task.clear_ibuf [dreg:s7], $0x2FFFF;
	_ =	strace $0x9FFFFFFF  }
0xc3: {  	(tm) =	ssettm $0x7FFFFFFF  }
tec
execute0_lowered:
.L_overlay_start_1:
0x0: {  	(tag) =	ssettag $0x1  }
0x1: {  	s0 =	srdreg.scid;
	s2 =	rddreg [dreg:$0x0]  }
0x2: {  	s13 =	stileid.u32;
	s5 =	rddreg [dreg:$0x1]  }
0x3: {  	s3 =	rddreg [dreg:$0x2];
	s4 =	simm.s32 $0x0;
	s14 =	simm.s32 $0x80  }
0x4: {  	s15 =	simm.s32 $0x9F00;
	s16 =	simm.s32 $0xBF00;
	s17 =	simm.s32 $0x1  }
0x5: {  	s19 =	simm.s32 $0xDF00;
	s20 =	simm.s32 $0x2;
	s22 =	simm.s32 $0x4  }
0x6: {  	s28 =	simm.s32 $0x200;
	s29 =	simm.s32 $0x5100;
	s30 =	simm.s32 $0x6  }
0x7: {  	s31 =	simm.s32 $0x280;
	s0 =	sand.u32 $0x1, s0;
	s1 =	smul.u32 $0x4F80, s13  }
0x8: {  	[smem:$0x7FF] =	sst s4;
	s7 =	smul.u32 $0x9E00, s13;
	s26 =	sshll.u32 s13, $0x6  }
0x9: {  	s13 =	simm.s32 $0x4F80;
	s6 =	smul.u32 $0x4F800, s0;
	_ =	strace $0x80000047  }
0xa: {  	s24 =	ssub.s32 $0x2, s0;
	p0 =	seq.s32 s0, $0x1;
	s0 =	simm.s32 $0x48A00  }
0xb: {  	s9 =	sshrl.u32 s7, $0x3;
	s10 =	sshrl.u32 s24, $0x1;
	s12 =	sadd.s32 s7, s3  }
0xc: {  	s0 =	simm.s32 @!p0 $0x34E00;
	s6 =	sadd.s32 s1, s6;
	s1 =	sshrl.u32 s1, $0x3  }
0xd: {  	s11 =	sadd.s32 s9, s5;
	s25 =	ssub.s32 s24, s10;
	s24 =	simm.s32 $0x3  }
0xe: {  	s6 =	sshrl.u32 s6, $0x3;
	s1 =	sadd.s32 s1, s5;
	s9 =	smax.u32 s25, $0x1  }
0xf: {  	s10 =	sadd.s32 s0, s11;
	s25 =	simm.s32 $0x5080;
	s0 =	simm.s32 $0x0  }
0x10: {  	s8 =	sadd.s32 s6, s5;
	s5 =	sadd.s32 $0x21200, s11;
	s6 =	sor.u32 $0x1C07, s26  }
0x11: {  	s11 =	sshrl.u32 s12, $0x3;
	s12 =	simm.s32 $0x7;
	s26 =	simm.s32 $0x5  }
0x12: {  	s7 =	sadd.s32 $0xD400, s8;
	s8 =	sadd.s32 $0x3400, s1;
	s1 =	simm.s32 $0x5180  }
.LBB2_1:
0x13: {  	[spmem:s11], [sflag:s6] =	dma.local [hbm:s5], $0x13C0  }
0x14: {  	_ =	swait.ge [sflag:s12], $0x13C0  }
0x15: {  	[sflag:s12] =	ssyncset.done $0x0  }
0x16: {  	[sflag:s12] =	ssyncadd.s32 $0xFFFFEC40  }
0x17: {  	[tilespmem:s4], [sflag:$0x7] =	stream.linear.gather [hbm4b:s7+s4], $0x4F80, $0x38;
	[tilespmem:$0x19D00] =	vst v63  }
0x18: {  	_ =	swait.ge [sflag:s12], $0x4F80  }
0x19: {  	[sflag:s12] =	ssyncset.done $0x0  }
0x1a: {  	[sflag:s12] =	ssyncadd.s32 $0xFFFFB080  }
0x1b: {  	[tilespmem:s13], [sflag:$0x7] =	stream.linear.gather [hbm4b:s8+s4], $0x4F80, $0x38;
	[tilespmem:$0x19D00] =	vst v63  }
0x1c: {  	_ =	swait.ge [sflag:s12], $0x4F80  }
0x1d: {  	[sflag:s12] =	ssyncset.done $0x0  }
0x1e: {  	[sflag:s12] =	ssyncadd.s32 $0xFFFFB080  }
0x1f: {  	[bflag:$0x0] =	sbarrier.arrive $0xFFFF  }
0x20: {  	[tilespmem:s15], [sflag:$0x1] =	stream.indirect.gather [hbm4b:s2+s14], $0x40, s4, s14, $0xb8;
	[tilespmem:$0x19D00] =	vst v63  }
0x21: {  	_ = 	snop  }
0x22: {  	[tilespmem:s16], [sflag:$0x2] =	stream.indirect.gather [hbm4b:s2+s14], $0x40, s14, s14, $0xb8;
	[tilespmem:$0x19D00] =	vst v63  }
0x23: {  	_ =	swait.ge [sflag:s17], $0x2000  }
0x24: {  	[sflag:s17] =	ssyncset.done $0x0  }
0x25: {  	[sflag:s17] =	ssyncadd.s32 $0xFFFFE000  }
0x26: {  	[spmem:s3] =	stream.indirect.scatter.add.f32 [tilespmem:s15], [sflag:$0x4], $0x40, s13, s14, $0xb8;
	[tilespmem:$0x19D00] =	vst v63  }
0x27: {  	s18 =	simm.s32 $0x100  }
0x28: {  	[tilespmem:s19], [sflag:$0x3] =	stream.indirect.gather [hbm4b:s2+s14], $0x40, s18, s14, $0xb8;
	[tilespmem:$0x19D00] =	vst v63  }
0x29: {  	_ =	swait.ge [sflag:s20], $0x2000  }
0x2a: {  	[sflag:s20] =	ssyncset.done $0x0  }
0x2b: {  	s23 =	simm.s32 $0x5000;
	[sflag:s20] =	ssyncadd.s32 $0xFFFFE000  }
0x2c: {  	[spmem:s3] =	stream.indirect.scatter.add.f32 [tilespmem:s16], [sflag:$0x5], $0x40, s23, s14, $0xb8;
	[tilespmem:$0x19D00] =	vst v63  }
0x2d: {  	_ =	swait.ge [sflag:s22], $0x2000  }
0x2e: {  	[sflag:s22] =	ssyncset.done $0x0  }
0x2f: {  	s21 =	simm.s32 $0x180;
	[sflag:s22] =	ssyncadd.s32 $0xFFFFE000  }
0x30: {  	[tilespmem:s15], [sflag:$0x1] =	stream.indirect.gather [hbm4b:s2+s14], $0x40, s21, s14, $0xb8;
	[tilespmem:$0x19D00] =	vst v63  }
0x31: {  	_ =	swait.ge [sflag:s24], $0x2000  }
0x32: {  	[sflag:s24] =	ssyncset.done $0x0  }
0x33: {  	[sflag:s24] =	ssyncadd.s32 $0xFFFFE000  }
0x34: {  	[spmem:s3] =	stream.indirect.scatter.add.f32 [tilespmem:s19], [sflag:$0x6], $0x40, s25, s14, $0xb8;
	[tilespmem:$0x19D00] =	vst v63  }
0x35: {  	_ =	swait.ge [sflag:s26], $0x2000  }
0x36: {  	[sflag:s26] =	ssyncset.done $0x0  }
0x37: {  	[sflag:s26] =	ssyncadd.s32 $0xFFFFE000  }
0x38: {  	[tilespmem:s16], [sflag:$0x2] =	stream.indirect.gather [hbm4b:s2+s14], $0x40, s28, s14, $0xb8;
	[tilespmem:$0x19D00] =	vst v63  }
0x39: {  	_ =	swait.ge [sflag:s17], $0x2000  }
0x3a: {  	[sflag:s17] =	ssyncset.done $0x0  }
0x3b: {  	[sflag:s17] =	ssyncadd.s32 $0xFFFFE000  }
0x3c: {  	[spmem:s3] =	stream.indirect.scatter.add.f32 [tilespmem:s15], [sflag:$0x4], $0x40, s29, s14, $0xb8;
	[tilespmem:$0x19D00] =	vst v63  }
0x3d: {  	_ =	swait.ge [sflag:s30], $0x2000  }
0x3e: {  	[sflag:s30] =	ssyncset.done $0x0  }
0x3f: {  	[sflag:s30] =	ssyncadd.s32 $0xFFFFE000  }
0x40: {  	[tilespmem:s19], [sflag:$0x3] =	stream.indirect.gather [hbm4b:s2+s14], $0x40, s31, s14, $0xb8;
	[tilespmem:$0x19D00] =	vst v63  }
0x41: {  	_ =	swait.ge [sflag:s20], $0x2000  }
0x42: {  	[sflag:s20] =	ssyncset.done $0x0  }
0x43: {  	[sflag:s20] =	ssyncadd.s32 $0xFFFFE000  }
0x44: {  	[spmem:s3] =	stream.indirect.scatter.add.f32 [tilespmem:s16], [sflag:$0x5], $0x40, s1, s14, $0xb8;
	[tilespmem:$0x19D00] =	vst v63  }
0x45: {  	_ =	swait.ge [sflag:s22], $0x2000  }
0x46: {  	[sflag:s22] =	ssyncset.done $0x0  }
0x47: {  	s23 =	simm.s32 $0x300;
	[sflag:s22] =	ssyncadd.s32 $0xFFFFE000  }
0x48: {  	[tilespmem:s15], [sflag:$0x1] =	stream.indirect.gather [hbm4b:s2+s14], $0x40, s23, s14, $0xb8;
	[tilespmem:$0x19D00] =	vst v63  }
0x49: {  	_ =	swait.ge [sflag:s24], $0x2000  }
0x4a: {  	[sflag:s24] =	ssyncset.done $0x0  }
0x4b: {  	s21 =	simm.s32 $0x5200;
	[sflag:s24] =	ssyncadd.s32 $0xFFFFE000  }
0x4c: {  	[spmem:s3] =	stream.indirect.scatter.add.f32 [tilespmem:s19], [sflag:$0x6], $0x40, s21, s14, $0xb8;
	[tilespmem:$0x19D00] =	vst v63  }
0x4d: {  	_ =	swait.ge [sflag:s26], $0x2000  }
0x4e: {  	[sflag:s26] =	ssyncset.done $0x0  }
0x4f: {  	s23 =	simm.s32 $0x380;
	[sflag:s26] =	ssyncadd.s32 $0xFFFFE000  }
0x50: {  	[tilespmem:s16], [sflag:$0x2] =	stream.indirect.gather [hbm4b:s2+s14], $0x40, s23, s14, $0xb8;
	[tilespmem:$0x19D00] =	vst v63  }
0x51: {  	_ =	swait.ge [sflag:s17], $0x2000  }
0x52: {  	[sflag:s17] =	ssyncset.done $0x0  }
0x53: {  	s21 =	simm.s32 $0x5280;
	[sflag:s17] =	ssyncadd.s32 $0xFFFFE000  }
0x54: {  	[spmem:s3] =	stream.indirect.scatter.add.f32 [tilespmem:s15], [sflag:$0x4], $0x40, s21, s14, $0xb8;
	[tilespmem:$0x19D00] =	vst v63  }
0x55: {  	_ =	swait.ge [sflag:s30], $0x2000  }
0x56: {  	[sflag:s30] =	ssyncset.done $0x0  }
0x57: {  	s23 =	simm.s32 $0x400;
	[sflag:s30] =	ssyncadd.s32 $0xFFFFE000  }
0x58: {  	[tilespmem:s19], [sflag:$0x3] =	stream.indirect.gather [hbm4b:s2+s14], $0x40, s23, s14, $0xb8;
	[tilespmem:$0x19D00] =	vst v63  }
0x59: {  	_ =	swait.ge [sflag:s20], $0x2000  }
0x5a: {  	[sflag:s20] =	ssyncset.done $0x0  }
0x5b: {  	s18 =	simm.s32 $0x600;
	s21 =	simm.s32 $0x5300;
	[sflag:s20] =	ssyncadd.s32 $0xFFFFE000  }
.LBB2_2:
0x5c: {  	[spmem:s3] =	stream.indirect.scatter.add.f32 [tilespmem:s16], [sflag:$0x5], $0x40, s21, s14, $0xb8;
	[tilespmem:$0x19D00] =	vst v63  }
0x5d: {  	s21 =	smov.u32 s18;
	s18 =	sadd.s32 $0x600, s18;
	_ =	swait.ge [sflag:s22], $0x2000  }
0x5e: {  	s21 =	sshra.s32 s21, $0x2;
	p0 =	sne.s32 s18, $0x13200;
	[sflag:s22] =	ssyncset.done $0x0  }
0x5f: {  	s23 =	sadd.s32 $0x300, s21;
	[sflag:s22] =	ssyncadd.s32 $0xFFFFE000  }
0x60: {  	[tilespmem:s15], [sflag:$0x1] =	stream.indirect.gather [hbm4b:s2+s14], $0x40, s23, s14, $0xb8;
	[tilespmem:$0x19D00] =	vst v63  }
0x61: {  	_ =	swait.ge [sflag:s24], $0x2000  }
0x62: {  	[sflag:s24] =	ssyncset.done $0x0  }
0x63: {  	s23 =	sadd.s32 $0x5200, s21;
	[sflag:s24] =	ssyncadd.s32 $0xFFFFE000  }
0x64: {  	[spmem:s3] =	stream.indirect.scatter.add.f32 [tilespmem:s19], [sflag:$0x6], $0x40, s23, s14, $0xb8;
	[tilespmem:$0x19D00] =	vst v63  }
0x65: {  	_ =	swait.ge [sflag:s26], $0x2000  }
0x66: {  	[sflag:s26] =	ssyncset.done $0x0  }
0x67: {  	s23 =	sadd.s32 $0x380, s21;
	[sflag:s26] =	ssyncadd.s32 $0xFFFFE000  }
0x68: {  	[tilespmem:s16], [sflag:$0x2] =	stream.indirect.gather [hbm4b:s2+s14], $0x40, s23, s14, $0xb8;
	[tilespmem:$0x19D00] =	vst v63  }
0x69: {  	_ =	swait.ge [sflag:s17], $0x2000  }
0x6a: {  	[sflag:s17] =	ssyncset.done $0x0  }
0x6b: {  	s23 =	sadd.s32 $0x5280, s21;
	[sflag:s17] =	ssyncadd.s32 $0xFFFFE000  }
0x6c: {  	[spmem:s3] =	stream.indirect.scatter.add.f32 [tilespmem:s15], [sflag:$0x4], $0x40, s23, s14, $0xb8;
	[tilespmem:$0x19D00] =	vst v63  }
0x6d: {  	_ =	swait.ge [sflag:s30], $0x2000  }
0x6e: {  	[sflag:s30] =	ssyncset.done $0x0  }
.Ltmp0:
0x6f: {  	s23 =	sadd.s32 $0x400, s21;
	[sflag:s30] =	ssyncadd.s32 $0xFFFFE000;
	(pc) =	sbr.rel @p0 .LBB2_2-.Ltmp0, $4  }
0x70: {  	[tilespmem:s19], [sflag:$0x3] =	stream.indirect.gather [hbm4b:s2+s14], $0x40, s23, s14, $0xb8;
	[tilespmem:$0x19D00] =	vst v63  }
0x71: {  	_ =	swait.ge [sflag:s20], $0x2000  }
0x72: {  	[sflag:s20] =	ssyncset.done $0x0  }
0x73: {  	s21 =	sadd.s32 $0x5300, s21;
	[sflag:s20] =	ssyncadd.s32 $0xFFFFE000  }
0x74: {  	[spmem:s3] =	stream.indirect.scatter.add.f32 [tilespmem:s16], [sflag:$0x5], $0x40, s21, s14, $0xb8;
	[tilespmem:$0x19D00] =	vst v63  }
0x75: {  	_ =	swait.ge [sflag:s24], $0x2000  }
0x76: {  	s18 =	sshra.s32 s18, $0x2;
	[sflag:s24] =	ssyncset.done $0x0  }
0x77: {  	s18 =	sadd.s32 $0x5200, s18;
	[sflag:s24] =	ssyncadd.s32 $0xFFFFE000  }
0x78: {  	[spmem:s3] =	stream.indirect.scatter.add.f32 [tilespmem:s19], [sflag:$0x6], $0x40, s18, s14, $0xb8;
	[tilespmem:$0x19D00] =	vst v63  }
0x79: {  	_ =	swait.ge [sflag:s22], $0x2000  }
0x7a: {  	[sflag:s22] =	ssyncset.done $0x0  }
0x7b: {  	[sflag:s22] =	ssyncadd.s32 $0xFFFFE000  }
0x7c: {  	_ =	swait.ge [sflag:s26], $0x2000  }
0x7d: {  	[sflag:s26] =	ssyncset.done $0x0  }
0x7e: {  	[sflag:s26] =	ssyncadd.s32 $0xFFFFE000  }
0x7f: {  	_ =	swait.ge [sflag:s30], $0x2000  }
0x80: {  	s0 =	sadd.s32 $0x1, s0;
	[sflag:s30] =	ssyncset.done $0x0  }
0x81: {  	p0 =	sne.s32 s0, s9;
	[sflag:s30] =	ssyncadd.s32 $0xFFFFE000  }
.Ltmp1:
0x82: {  	[bflag:$0x0] =	sbarrier.arrive $0xFFFF;
	(pc) =	sbr.rel @p0 .LBB2_1-.Ltmp1, $4  }
0x83: {  	[hbm:s10], [sflag:s6] =	dma.local [spmem:s11], $0x13C0  }
0x84: {  	_ =	swait.ge [sflag:s12], $0x13C0  }
0x85: {  	[sflag:s12] =	ssyncset.done $0x0  }
0x86: {  	[sflag:s12] =	ssyncadd.s32 $0xFFFFEC40  }
0x87: {  	_ =	sfence.sel $0x180000  }
0x88: {  	[bflag:$0x0] =	sbarrier.arrive $0xFFFF  }
0x89: {  	_ =	strace $0x90000047  }
0x8a: {  	s0 =	stileid.u32;
	[bflag:$0x2] =	sbarrier.arrive $0xFFFF  }
0x8b: {  	p0 =	sne.s32 s0, $0x0;
	s0 =	rddreg [dreg:$0x3]  }
0x8c: {  	s0 =	sadd.s32 @!p0 $0x100000, s0  }
0x8d: {  	[sflag:s0] =	ssyncadd.tile.s32 @!p0 $0x1;
	_ =	shalt  }
.Lfunc_end2:
_tile_overlayer_lowered:
.L_overlay_start_2:
0x8e: {  	(tag) =	ssettag $0x2  }
0x8f: {  	s0 =	rddreg [dreg:$0x0];
	s2 =	stileid.u32  }
0x90: {  	s1 =	rddreg [dreg:$0x1];
	p0 =	sne.s32 s2, $0x0  }
0x91: {  	s3 =	rddreg [dreg:$0x2];
	[bflag:$0x3] =	sbarrier.arrive $0xFFFF;
	s2 =	simm.s32 @!p0 $0x1C07  }
0x92: {  	[timem:s3], [sflag:s2] =	dma.local @!p0 [hbm:s0], s1  }
0x93: {  	s0 =	simm.s32 @!p0 $0x7  }
0x94: {  	_ =	swait.ge @!p0 [sflag:s0], s1  }
0x95: {  	s1 =	ssub.s32 @!p0 $0x0, s1;
	[sflag:s0] =	ssyncset.done @!p0 $0x0  }
0x96: {  	[sflag:s0] =	ssyncadd.s32 @!p0 s1  }
0x97: {  	[bflag:$0x3] =	sbarrier.arrive $0xFFFF  }
0x98: {  	_ =	shalt  }

// kernel: kernel.8.cloned.1.call-start
scs
__scs_entry_jumppad:
0x0: {  	(pc) =	sbr.rel $0x88, $3  }
0x1: {  	(tag) =	ssettag $0x0;
	lr =	simm.s32 $0x1  }
0x2: {  	[smem:$0x3F9A] =	sst lr;
	_ =	strace $0xD0000000  }
0x3: {  	_ = 	snop  }
0x4: {  	_ = 	snop  }
0x5: {  	_ = 	snop  }
0x6: {  	_ = 	snop  }
0x7: {  	_ = 	snop  }
__scs_overlays_trampoline_lowered:
0x8: {  	[smem:$0x3FA9] =	sst s0  }
0x9: {  	[smem:$0x3FAA] =	sst s1  }
0xa: {  	[smem:$0x3FAB] =	sst s2  }
0xb: {  	[smem:$0x3FAC] =	sst s3  }
0xc: {  	[smem:$0x3FAD] =	sst s4  }
0xd: {  	[smem:$0x3FAE] =	sst s5  }
0xe: {  	[smem:$0x3FAF] =	sst s6  }
0xf: {  	[smem:$0x3FB0] =	sst s7  }
0x10: {  	[smem:$0x3FB1] =	sst s8  }
0x11: {  	[smem:$0x3FB2] =	sst s9;
	s0 =	simm.s32 @!p0 $0x0  }
0x12: {  	s1 =	sld [smem:$0x3F98];
	s0 =	simm.s32 @p0 $0x1  }
0x13: {  	[smem:$0x3FB3] =	sst s0;
	s0 =	simm.s32 @!p1 $0x0  }
0x14: {  	s2 =	sld [smem:$0x3F97];
	s0 =	simm.s32 @p1 $0x1  }
0x15: {  	[smem:$0x3FB4] =	sst s0;
	s0 =	simm.s32 @!p2 $0x0  }
0x16: {  	s3 =	sld [smem:$0x3FDB];
	s0 =	simm.s32 @p2 $0x1  }
0x17: {  	s4 =	simm.s32 $0x1BF5;
	[smem:$0x3FB6] =	sst s0  }
0x18: {  	s0 =	sld [smem:$0x3F99];
	_ =	swait.ge [sflag:s4], $0x0  }
0x19: {  	s7 =	sld [smem:$0x3F9A]  }
0x1a: {  	s8 =	sadd.s32 $0xFFFFE003, lr  }
0x1b: {  	s9 =	sadd.s32 $0xFFFFFEF7, lr;
	s5 =	simm.s32 $0xFFFFFFFF;
	p2 =	slt.u32 s8, $0xFFFFF086  }
0x1c: {  	p1 =	slt.u32 s9, $0xF7A;
	s5 =	simm.s32 @!p2 $0x0  }
0x1d: {  	s5 =	simm.s32 @p1 $0x1;
	p0 =	seq.s32 s7, s2  }
0x1e: {  	s7 =	smul.u32 @!p0 $0xF7A, s2;
	p2 =	seq.s32 @!p0 s5, $0x0  }
0x1f: {  	s9 =	smul.u32 $0xF7A, s1;
	s8 =	simm.s32 @!p0 $0x1BF5;
	p2 =	por !p2, p0  }
0x20: {  	[sflag:s8] =	ssyncset.s32 @!p0 $0xFFFFF086;
	s6 =	sadd.s32 @!p0 s3, s7;
	s7 =	simm.s32 @!p0 $0x108  }
0x21: {  	s3 =	sadd.s32 s3, s9;
	s6 =	sadd.s32 @!p0 $0x88, s6;
	s7 =	simm.s32 @p2 $0x1082  }
0x22: {  	[simem:s7], [sflag:s8] =	dma.local @!p0 [hbm:s6], $0xF7A  }
0x23: {  	s9 =	sor.u32 $0xD0000000, s2;
	s6 =	simm.s32 $0x108;
	_ =	swait.ge @!p0 [sflag:s8], $0x0  }
0x24: {  	s3 =	sadd.s32 $0x88, s3;
	s6 =	simm.s32 @!p1 $0x1082;
	[sflag:s4] =	ssyncset.s32 $0xFFFFF086  }
0x25: {  	[simem:s6], [sflag:s4] =	dma.local [hbm:s3], $0xF7A  }
0x26: {  	[smem:$0x3F9A] =	sst s1;
	(tag) =	ssettag s2;
	_ =	strace s9  }
0x27: {  	s1 =	sld [smem:$0x3FAA]  }
0x28: {  	s2 =	sld [smem:$0x3FAB]  }
0x29: {  	s4 =	sld [smem:$0x3FAD]  }
0x2a: {  	p0 =	seq.s32 s5, $0x0;
	s5 =	sld [smem:$0x3FAE]  }
0x2b: {  	s6 =	sld [smem:$0x3FAF]  }
0x2c: {  	s7 =	sld [smem:$0x3FB0]  }
0x2d: {  	s3 =	simm.s32 $0x108;
	s8 =	sld [smem:$0x3FB1]  }
0x2e: {  	s3 =	simm.s32 @!p0 $0x1082;
	s9 =	sld [smem:$0x3FB2]  }
0x2f: {  	lr =	sadd.s32 s0, s3;
	s0 =	sld [smem:$0x3FA9]  }
0x30: {  	s3 =	sld [smem:$0x3FAC]  }
0x31: {  	[smem:$0x3FB5] =	sst s10  }
0x32: {  	s10 =	sld [smem:$0x3FB3];
	_ =	sdelay $0x3  }
0x33: {  	p0 =	seq.s32 s10, $0x1;
	s10 =	sld [smem:$0x3FB5];
	_ =	sdelay $0x3  }
0x34: {  	[smem:$0x3FB5] =	sst s10  }
0x35: {  	s10 =	sld [smem:$0x3FB4];
	_ =	sdelay $0x3  }
0x36: {  	p1 =	seq.s32 s10, $0x1;
	s10 =	sld [smem:$0x3FB5];
	_ =	sdelay $0x3  }
0x37: {  	[smem:$0x3FB5] =	sst s10  }
0x38: {  	s10 =	sld [smem:$0x3FB6]  }
0x39: {  	_ = 	snop;
	(pc) =	sbr.ind lr, $3  }
0x3a: {  	_ = 	snop  }
0x3b: {  	_ = 	snop  }
0x3c: {  	p2 =	seq.s32 s10, $0x1;
	s10 =	sld [smem:$0x3FB5]  }
0x3d: {  	_ =	shalt  }
0x3e: {  	_ =	shalt  }
0x3f: {  	_ =	shalt  }
0x40: {  	_ =	shalt  }
0x41: {  	_ =	shalt  }
0x42: {  	_ =	shalt  }
0x43: {  	_ =	shalt  }
0x44: {  	_ =	shalt  }
0x45: {  	_ =	shalt  }
0x46: {  	_ =	shalt  }
0x47: {  	_ =	shalt  }
0x48: {  	_ =	shalt  }
0x49: {  	_ =	shalt  }
0x4a: {  	_ =	shalt  }
0x4b: {  	_ =	shalt  }
0x4c: {  	_ =	shalt  }
0x4d: {  	_ =	shalt  }
0x4e: {  	_ =	shalt  }
0x4f: {  	_ =	shalt  }
0x50: {  	_ =	shalt  }
0x51: {  	_ =	shalt  }
0x52: {  	_ =	shalt  }
0x53: {  	_ =	shalt  }
0x54: {  	_ =	shalt  }
0x55: {  	_ =	shalt  }
0x56: {  	_ =	shalt  }
0x57: {  	_ =	shalt  }
0x58: {  	_ =	shalt  }
0x59: {  	_ =	shalt  }
0x5a: {  	_ =	shalt  }
0x5b: {  	_ =	shalt  }
0x5c: {  	_ =	shalt  }
0x5d: {  	_ =	shalt  }
0x5e: {  	_ =	shalt  }
0x5f: {  	_ =	shalt  }
0x60: {  	_ =	shalt  }
0x61: {  	_ =	shalt  }
0x62: {  	_ =	shalt  }
0x63: {  	_ =	shalt  }
0x64: {  	_ =	shalt  }
0x65: {  	_ =	shalt  }
0x66: {  	_ =	shalt  }
0x67: {  	_ =	shalt  }
0x68: {  	_ =	shalt  }
0x69: {  	_ =	shalt  }
0x6a: {  	_ =	shalt  }
0x6b: {  	_ =	shalt  }
0x6c: {  	_ =	shalt  }
0x6d: {  	_ =	shalt  }
0x6e: {  	_ =	shalt  }
0x6f: {  	_ =	shalt  }
0x70: {  	_ =	shalt  }
0x71: {  	_ =	shalt  }
0x72: {  	_ =	shalt  }
0x73: {  	_ =	shalt  }
0x74: {  	_ =	shalt  }
0x75: {  	_ =	shalt  }
0x76: {  	_ =	shalt  }
0x77: {  	_ =	shalt  }
0x78: {  	_ =	shalt  }
0x79: {  	_ =	shalt  }
0x7a: {  	_ =	shalt  }
0x7b: {  	_ =	shalt  }
0x7c: {  	_ =	shalt  }
0x7d: {  	_ =	shalt  }
0x7e: {  	_ =	shalt  }
0x7f: {  	_ =	shalt  }
0x80: {  	_ =	shalt  }
0x81: {  	_ =	shalt  }
0x82: {  	_ =	shalt  }
0x83: {  	_ =	shalt  }
0x84: {  	_ =	shalt  }
0x85: {  	_ =	shalt  }
0x86: {  	_ =	shalt  }
0x87: {  	_ =	shalt  }
.Lfunc_end0:
.L_simem_size_0:
called_computation.1_lowered:
.L_overlay_start_0:
0x88: {  	s2 =	sld [smem:$0x3FD9]  }
0x89: {  	s3 =	sld [smem:$0x3FFE];
	_ =	sdelay $0x1  }
0x8a: {  	s1 =	srdreg.scid  }
0x8b: {  	s0 =	sand.u32 $0x1, s1  }
0x8c: {  	s17 =	sshll.u32 s0, $0xA;
	s2 =	sadd.s32 s3, s2  }
0x8d: {  	s2 =	sadd.s32 s2, s17  }
0x8e: {  	[smem:$0x3FC1] =	sst s2  }
0x8f: {  	_ = 	snop  }
0x90: {  	(tm) =	ssettm $0x1  }
0x91: {  	s18 =	sld [smem:$0x3FFB];
	_ =	sdelay $0x3  }
0x92: {  	_ =	strace s18  }
0x93: {  	s2 =	sld [smem:$0x3FFC];
	_ =	sdelay $0x3  }
0x94: {  	_ =	strace s2  }
0x95: {  	s2 =	sld [smem:$0x3FFD];
	_ =	sdelay $0x3  }
0x96: {  	_ =	strace s2  }
0x97: {  	_ =	strace $0x8FFFFFFF  }
0x98: {  	s19 =	sld [smem:$0x3FDB];
	_ =	sdelay $0x1  }
0x99: {  	s20 =	simm.s32 $_scs_section_size  }
0x9a: {  	s4 =	simm.s32 $_size__tile_overlayer_lowered;
	s5 =	simm.s32 $_tile_overlayer_lowered  }
0x9b: {  	s6 =	simm.s32 $0x1BFF;
	s21 =	sshll.u32 s5, $0x1;
	s3 =	sadd.s32 s20, s19  }
0x9c: {  	s22 =	simm.s32 $0x0;
	s4 =	sshll.u32 s4, $0x1;
	s5 =	sadd.s32 s21, s3  }
0x9d: {  	[timem:s22], [sflag:s6] =	dma.local [hbm:s5], s4  }
0x9e: {  	_ =	swait.ge [sflag:s6], s4  }
0x9f: {  	s4 =	ssub.s32 $0x0, s4;
	[sflag:s6] =	ssyncset.done $0x0  }
0xa0: {  	[sflag:s6] =	ssyncadd.s32 s4;
	_ =	sdelay $0x1  }
0xa1: {  	s23 =	simm.s32 $0x1B8B  }
0xa2: {  	_ =	swait.ge [sflag:s23], $0x1  }
0xa3: {  	[sflag:s23] =	ssyncset.done $0x0  }
0xa4: {  	[sflag:s23] =	ssyncadd.s32 $0xFFFFFFFF  }
0xa5: {  	s4 =	sld [smem:$0x0]  }
0xa6: {  	s5 =	sand.u32 $0xFFFFFFFE, s1  }
0xa7: {  	p0 =	sne.s32 s1, s5  }
0xa8: {  	s5 =	sshll.u32 @p0 s5, $0xE  }
0xa9: {  	s5 =	sadd.s32 @p0 $0x11B8D, s5;
	s6 =	sshll.u32 @p0 s4, $0x11  }
0xaa: {  	s5 =	sor.u32 @p0 s6, s5  }
0xab: {  	[sflag:s5] =	ssyncadd.remote.s32 @p0 $0x1;
	_ =	sdelay $0x1  }
0xac: {  	s5 =	simm.s32 @p0 $0x1B8D  }
0xad: {  	_ =	swait.eq @p0 [sflag:s5], $0x1  }
0xae: {  	[sflag:s5] =	ssyncadd.s32 @p0 $0xFFFFFFFF  }
0xaf: {  	s6 =	sshll.u32 @!p0 s1, $0xE  }
0xb0: {  	s6 =	sor.u32 @!p0 $0x4000, s6;
	s5 =	simm.s32 @!p0 $0x1B8D  }
0xb1: {  	s4 =	sshll.u32 @!p0 s4, $0x11;
	s6 =	sadd.s32 @!p0 $0x11B8D, s6;
	_ =	swait.eq @!p0 [sflag:s5], $0x1  }
0xb2: {  	s4 =	sor.u32 @!p0 s4, s6;
	[sflag:s5] =	ssyncadd.s32 @!p0 $0xFFFFFFFF  }
0xb3: {  	s25 =	simm.s32 $0x1B8E;
	s24 =	sld [smem:$0x3FFE];
	[sflag:s4] =	ssyncadd.remote.s32 @!p0 $0x1  }
0xb4: {  	s26 =	simm.s32 $execute0_lowered;
	[smem:$0x3FD2] =	sst s25  }
0xb5: {  	s5 =	sshll.u32 s26, $0x1;
	_ =	strace $0x80000049;
	[dreg:$0x1] =	wrdreg $0xFFFFFFFF  }
0xb6: {  	s28 =	simm.s32 $_size_execute0_lowered;
	s3 =	sadd.s32 s3, s5;
	[dreg:$0x0] =	wrdreg $0x0  }
0xb7: {  	s5 =	sshll.u32 s28, $0x1;
	[dreg:$0x2] =	wrdreg s3  }
0xb8: {  	[dreg:$0x3] =	wrdreg s5  }
0xb9: {  	[dreg:$0x4] =	wrdreg $0xC0  }
0xba: {  	_ =	task [dreg:s22], $0x5FFFF  }
0xbb: {  	[dreg:$0x1] =	wrdreg $0xFFFFFFFF  }
0xbc: {  	[dreg:$0x0] =	wrdreg $0x60  }
0xbd: {  	[dreg:$0x2] =	wrdreg s24  }
0xbe: {  	[dreg:$0x3] =	wrdreg $0x3C000  }
0xbf: {  	[dreg:$0x4] =	wrdreg $0x63800  }
0xc0: {  	[dreg:$0x5] =	wrdreg $0xA  }
0xc1: {  	_ =	task.clear_ibuf [dreg:s22], $0x6FFFF;
	_ =	strace $0x90000049  }
0xc2: {  	s29 =	simm.s32 $0xA;
	_ =	strace $0x8000004B  }
0xc3: {  	_ =	swait.ge [sflag:s29], $0x1  }
0xc4: {  	[sflag:s29] =	ssyncadd.s32 $0xFFFFFFFF  }
0xc5: {  	_ =	strace $0x9000004B  }
0xc6: {  	_ =	sfence  }
0xc7: {  	s30 =	sld [smem:$0x0];
	_ =	sdelay $0x2  }
0xc8: {  	s31 =	sshll.u32 s1, $0xD;
	s1 =	sshrl.u32 s1, $0x2  }
0xc9: {  	s4 =	sand.u32 $0x4000, s31;
	s1 =	sadd.s32 s1, s30  }
0xca: {  	s0 =	sor.u32 s4, s0;
	s1 =	sshll.u32 s1, $0x11  }
0xcb: {  	s0 =	sor.u32 s1, s0  }
0xcc: {  	s0 =	sadd.s32 $0x8F2B, s0  }
0xcd: {  	[sflag:s0] =	ssyncadd.remote.s32 $0x1  }
0xce: {  	_ =	sfence.sel $0xFFFF  }
0xcf: {  	[dreg:$0x0] =	wrdreg $0xFFFFFFFF;
	(pc) =	sbr.abs _section_cstart, $3  }
0xd0: {  	[dreg:$0x1] =	wrdreg $0xFFFFFFFF  }
0xd1: {  	_ =	task.clear_ibuf [dreg:s22], $0x2FFFF;
	_ =	strace $0x9FFFFFFF  }
0xd2: {  	(tm) =	ssettm $0x7FFFFFFF  }
0xd3: {  	_ =	shalt  }
tec
execute0_lowered:
.L_overlay_start_1:
0x0: {  	(tag) =	ssettag $0x1  }
0x1: {  	s0 =	rddreg [dreg:$0x0]  }
0x2: {  	s2 =	rddreg [dreg:$0x1];
	s1 =	srdreg.scid  }
0x3: {  	s3 =	rddreg [dreg:$0x2];
	s18 =	stileid.u32;
	s4 =	simm.s32 $0x0  }
0x4: {  	s28 =	simm.s32 $0x3;
	s29 =	simm.s32 $0x5;
	s6 =	smul.u32 $0x2800, s18  }
0x5: {  	s30 =	simm.s32 $0x0;
	s1 =	sand.u32 $0x1, s1;
	s31 =	smul.u32 $0x2780, s18  }
0x6: {  	[smem:$0x7FF] =	sst s4;
	s14 =	sadd.s32 $0x53E600, s0;
	s9 =	smul.u32 $0x13C0, s18  }
0x7: {  	s16 =	sadd.s32 $0x66600, s0;
	s22 =	sshll.u32 s18, $0x6;
	s5 =	smul.u32 $0x28000, s1  }
0x8: {  	_ =	strace $0x8000004A;
	[dreg:$0x4] =	wrdreg s16;
	s17 =	smul.u32 $0x27800, s1  }
0x9: {  	s12 =	smul.u32 $0x13C00, s1;
	s13 =	ssub.s32 $0x2, s1;
	s21 =	sshll.u32 s1, $0x4  }
0xa: {  	s1 =	smul.u32 $0x50000, s1;
	s8 =	sshrl.u32 s31, $0x3;
	s11 =	sshrl.u32 s9, $0x3  }
0xb: {  	s20 =	sshrl.u32 s13, $0x1;
	s5 =	sadd.s32 s6, s5;
	s8 =	sadd.s32 s8, s0  }
0xc: {  	s11 =	sadd.s32 s11, s0;
	s12 =	sadd.s32 s9, s12;
	s16 =	ssub.s32 s13, s20  }
0xd: {  	s6 =	sadd.s32 s31, s2;
	s20 =	sadd.s32 s9, s3;
	s7 =	sshrl.u32 s5, $0x3  }
0xe: {  	s19 =	sshrl.u32 s12, $0x3;
	s23 =	sadd.s32 $0x66800, s8;
	s8 =	sor.u32 $0x1C07, s22  }
0xf: {  	s25 =	sadd.s32 $0x6B800, s11;
	s20 =	sshrl.u32 s20, $0x3;
	s22 =	simm.s32 $0x2800  }
0x10: {  	s10 =	sadd.s32 s7, s0;
	s7 =	sadd.s32 s31, s17;
	[dreg:$0x5] =	wrdreg s23  }
0x11: {  	s17 =	sor.u32 s18, s21;
	[dreg:$0x6] =	wrdreg s25;
	s18 =	smul.u32 $0x5000, s18  }
0x12: {  	s31 =	sadd.s32 s1, s14;
	s21 =	simm.s32 $0x3800;
	s23 =	simm.s32 $0x1  }
0x13: {  	s25 =	simm.s32 $0x3000;
	s7 =	sshrl.u32 s7, $0x3;
	s24 =	smul.u32 $0x5000, s17  }
0x14: {  	s26 =	sadd.s32 $0x5C600, s10;
	p0 =	seq.s32 s17, $0x1F;
	s15 =	sadd.s32 s7, s0  }
.Ltmp0:
0x15: {  	s0 =	sadd.s32 s19, s0;
	[dreg:$0x7] =	wrdreg s26;
	(pc) =	sbr.rel .LBB2_1-.Ltmp0, $4  }
0x16: {  	s19 =	simm.s32 $0x7;
	s26 =	simm.s32 $0x2;
	s11 =	sadd.s32 s14, s24  }
0x17: {  	s12 =	sadd.s32 $0x6E000, s15;
	s13 =	sadd.s32 $0x77E00, s0;
	s14 =	smax.u32 s16, $0x1  }
0x18: {  	s0 =	sadd.s32 s18, s31;
	s18 =	sshrl.u32 s6, $0x3;
	s24 =	simm.s32 $0x80  }
0x19: {  	s15 =	sadd.s32 $0x100, s11;
	s16 =	sadd.s32 $0x200, s11;
	s0 =	sadd.s32 $0x400, s0  }
.LBB2_4:
0x1a: {  	s1 =	simm.s32 @!p0 $0x3  }
0x1b: {  	_ =	swait.ge @!p0 [sflag:s1], $0x800  }
0x1c: {  	[sflag:s1] =	ssyncset.done @!p0 $0x0  }
0x1d: {  	[sflag:s1] =	ssyncadd.s32 @!p0 $0xFFFFF800;
	s1 =	simm.s32 @!p0 $0x5  }
0x1e: {  	_ =	swait.ge @!p0 [sflag:s1], $0x400  }
0x1f: {  	[sflag:s1] =	ssyncset.done @!p0 $0x0  }
0x20: {  	[sflag:s1] =	ssyncadd.s32 @!p0 $0xFFFFFC00;
	s1 =	simm.s32 @!p0 $0x4  }
0x21: {  	_ =	swait.ge @!p0 [sflag:s1], $0x800  }
0x22: {  	[sflag:s1] =	ssyncset.done @!p0 $0x0  }
0x23: {  	[sflag:s1] =	ssyncadd.s32 @!p0 $0xFFFFF800;
	s1 =	simm.s32 @!p0 $0x6  }
0x24: {  	_ =	swait.ge @!p0 [sflag:s1], $0x400  }
0x25: {  	[sflag:s1] =	ssyncset.done @!p0 $0x0  }
0x26: {  	[sflag:s1] =	ssyncadd.s32 @!p0 $0xFFFFFC00  }
0x27: {  	[bflag:$0x0] =	sbarrier.arrive $0xFFFF  }
0x28: {  	[hbm:s12], [sflag:s8] =	dma.local [spmem:s18], $0x4F0  }
0x29: {  	s30 =	sadd.s32 $0x1, s30;
	_ =	swait.ge [sflag:s19], $0x4F0  }
0x2a: {  	p1 =	sne.s32 s30, s14;
	[sflag:s19] =	ssyncset.done $0x0  }
.Ltmp1:
0x2b: {  	[sflag:s19] =	ssyncadd.s32 $0xFFFFFB10;
	(pc) =	sbr.rel @!p1 .LBB2_5-.Ltmp1, $4  }
0x2c: {  	[hbm:s13], [sflag:s8] =	dma.local [spmem:s20], $0x278  }
0x2d: {  	_ =	swait.ge [sflag:s19], $0x278  }
0x2e: {  	[sflag:s19] =	ssyncset.done $0x0  }
0x2f: {  	[sflag:s19] =	ssyncadd.s32 $0xFFFFFD88  }
.LBB2_1:
0x30: {  	s1 =	rddreg [dreg:$0x5]  }
0x31: {  	[spmem:s18], [sflag:s8] =	dma.local [hbm:s1], $0x4F0  }
0x32: {  	_ =	swait.ge [sflag:s19], $0x4F0  }
0x33: {  	[sflag:s19] =	ssyncset.done $0x0  }
0x34: {  	s9 =	rddreg [dreg:$0x6];
	[sflag:s19] =	ssyncadd.s32 $0xFFFFFB10  }
0x35: {  	[spmem:s20], [sflag:s8] =	dma.local [hbm:s9], $0x278  }
0x36: {  	_ =	swait.ge [sflag:s19], $0x278  }
0x37: {  	[sflag:s19] =	ssyncset.done $0x0  }
0x38: {  	s10 =	rddreg [dreg:$0x4];
	[sflag:s19] =	ssyncadd.s32 $0xFFFFFD88  }
0x39: {  	[tilespmem:s21], [sflag:$0x7] =	stream.linear.gather [hbm4b:s10+s4], $0x400, $0x38;
	[tilespmem:$0x7740] =	vst v63  }
0x3a: {  	_ =	swait.ge [sflag:s19], $0x400  }
0x3b: {  	[sflag:s19] =	ssyncset.done $0x0  }
0x3c: {  	s17 =	rddreg [dreg:$0x7];
	[sflag:s19] =	ssyncadd.s32 $0xFFFFFC00  }
0x3d: {  	[tilespmem:s4], [sflag:$0x7] =	stream.linear.gather [hbm4b:s17+s4], $0x2800, $0x38;
	[tilespmem:$0x7740] =	vst v63  }
0x3e: {  	_ =	swait.ge [sflag:s19], $0x2800  }
0x3f: {  	[sflag:s19] =	ssyncset.done $0x0  }
0x40: {  	[sflag:s19] =	ssyncadd.s32 $0xFFFFD800  }
0x41: {  	[bflag:$0x0] =	sbarrier.arrive $0xFFFF  }
0x42: {  	[tilespmem:s22], [sflag:$0x1] =	stream.linear.gather [hbm4b:s11+s4], $0x800, $0x38;
	[tilespmem:$0x7740] =	vst v63  }
0x43: {  	_ =	swait.ge [sflag:s23], $0x800  }
0x44: {  	[sflag:s23] =	ssyncset.done $0x0  }
0x45: {  	[sflag:s23] =	ssyncadd.s32 $0xFFFFF800  }
0x46: {  	[spmem:s2] =	stream.indirect.scatter.add.f32 [tilespmem:s22], [sflag:$0x3], $0x10, s4, s24, $0xb8;
	[tilespmem:$0x7740] =	vst v63  }
0x47: {  	_ = 	snop  }
0x48: {  	[spmem:s3] =	stream.indirect.scatter.add.f32 [tilespmem:s21], [sflag:$0x5], $0x8, s4, s24, $0xb8;
	[tilespmem:$0x7740] =	vst v63  }
0x49: {  	_ = 	snop  }
0x4a: {  	[tilespmem:s25], [sflag:$0x2] =	stream.linear.gather [hbm4b:s15+s4], $0x800, $0x38;
	[tilespmem:$0x7740] =	vst v63  }
0x4b: {  	_ =	swait.ge [sflag:s26], $0x800  }
0x4c: {  	[sflag:s26] =	ssyncset.done $0x0  }
0x4d: {  	[sflag:s26] =	ssyncadd.s32 $0xFFFFF800  }
0x4e: {  	[spmem:s2] =	stream.indirect.scatter.add.f32 [tilespmem:s25], [sflag:$0x4], $0x10, s24, s24, $0xb8;
	[tilespmem:$0x7740] =	vst v63  }
0x4f: {  	_ = 	snop  }
0x50: {  	[spmem:s3] =	stream.indirect.scatter.add.f32 [tilespmem:s21], [sflag:$0x6], $0x8, s24, s24, $0xb8;
	[tilespmem:$0x7740] =	vst v63  }
0x51: {  	_ =	swait.ge [sflag:s28], $0x800  }
0x52: {  	[sflag:s28] =	ssyncset.done $0x0  }
0x53: {  	[sflag:s28] =	ssyncadd.s32 $0xFFFFF800  }
0x54: {  	_ =	swait.ge [sflag:s29], $0x400  }
0x55: {  	s31 =	simm.s32 $0x100;
	[sflag:s29] =	ssyncset.done $0x0  }
0x56: {  	s1 =	simm.s32 $0x0;
	s17 =	smov.u32 s0;
	[sflag:s29] =	ssyncadd.s32 $0xFFFFFC00  }
0x57: {  	[tilespmem:s22], [sflag:$0x1] =	stream.linear.gather [hbm4b:s16+s4], $0x800, $0x38;
	[tilespmem:$0x7740] =	vst v63  }
.LBB2_2:
0x58: {  	s6 =	sadd.s32 s1, s5  }
0x59: {  	s7 =	sadd.s32 $0x100, s6  }
0x5a: {  	p1 =	sgt.u32 s7, $0x4E1FF  }
0x5b: {  	s7 =	simm.s32 @!p1 $0x1  }
0x5c: {  	_ =	swait.ge @!p1 [sflag:s7], $0x800  }
0x5d: {  	[sflag:s7] =	ssyncset.done @!p1 $0x0  }
0x5e: {  	s9 =	simm.s32 @!p1 $0x2800;
	[sflag:s7] =	ssyncadd.s32 @!p1 $0xFFFFF800;
	s7 =	simm.s32 @!p1 $0x80  }
0x5f: {  	[spmem:s2] =	stream.indirect.scatter.add.f32 @!p1 [tilespmem:s9], [sflag:$0x3], $0x10, s31, s7, $0xb8;
	[tilespmem:$0x7740] =	vst v63  }
0x60: {  	p2 =	sgt.u32 s6, $0x4E1FF;
	s9 =	simm.s32 @!p1 $0x3800  }
0x61: {  	[spmem:s3] =	stream.indirect.scatter.add.f32 @!p1 [tilespmem:s9], [sflag:$0x5], $0x8, s31, s7, $0xb8;
	[tilespmem:$0x7740] =	vst v63  }
0x62: {  	s7 =	simm.s32 @!p2 $0x4  }
0x63: {  	_ =	swait.ge @!p2 [sflag:s7], $0x800  }
0x64: {  	[sflag:s7] =	ssyncset.done @!p2 $0x0  }
0x65: {  	[sflag:s7] =	ssyncadd.s32 @!p2 $0xFFFFF800;
	s7 =	simm.s32 @!p2 $0x6  }
0x66: {  	_ =	swait.ge @!p2 [sflag:s7], $0x400  }
0x67: {  	s10 =	sadd.s32 $0x180, s6;
	[sflag:s7] =	ssyncset.done @!p2 $0x0  }
0x68: {  	[sflag:s7] =	ssyncadd.s32 @!p2 $0xFFFFFC00;
	p2 =	sgt.u32 s10, $0x4E1FF  }
0x69: {  	s7 =	sadd.s32 @!p2 $0xFFFFFF00, s17;
	s9 =	simm.s32 @!p2 $0x0;
	s10 =	simm.s32 @!p2 $0x3000  }
0x6a: {  	[tilespmem:s10], [sflag:$0x2] =	stream.linear.gather @!p2 [hbm4b:s7+s9], $0x800, $0x38;
	[tilespmem:$0x7740] =	vst v63  }
0x6b: {  	s7 =	simm.s32 @!p2 $0x2  }
0x6c: {  	_ =	swait.ge @!p2 [sflag:s7], $0x800  }
0x6d: {  	[sflag:s7] =	ssyncset.done @!p2 $0x0  }
0x6e: {  	s9 =	simm.s32 @!p2 $0x80;
	[sflag:s7] =	ssyncadd.s32 @!p2 $0xFFFFF800;
	s7 =	sadd.s32 @!p2 $0x80, s31  }
0x6f: {  	[spmem:s2] =	stream.indirect.scatter.add.f32 @!p2 [tilespmem:s10], [sflag:$0x4], $0x10, s7, s9, $0xb8;
	[tilespmem:$0x7740] =	vst v63  }
0x70: {  	s10 =	simm.s32 @!p2 $0x3800  }
0x71: {  	[spmem:s3] =	stream.indirect.scatter.add.f32 @!p2 [tilespmem:s10], [sflag:$0x6], $0x8, s7, s9, $0xb8;
	[tilespmem:$0x7740] =	vst v63  }
0x72: {  	p2 =	seq.s32 s1, $0x2600  }
.Ltmp2:
0x73: {  	_ = 	snop;
	(pc) =	sbr.rel @p2 .LBB2_4-.Ltmp2, $1  }
0x74: {  	_ =	sdelay $0x3  }
0x75: {  	s7 =	simm.s32 @!p1 $0x3  }
0x76: {  	_ =	swait.ge @!p1 [sflag:s7], $0x800  }
0x77: {  	[sflag:s7] =	ssyncset.done @!p1 $0x0  }
0x78: {  	[sflag:s7] =	ssyncadd.s32 @!p1 $0xFFFFF800;
	s7 =	simm.s32 @!p1 $0x5  }
.Ltmp3:
0x79: {  	s6 =	sadd.s32 $0x200, s6;
	_ =	swait.ge @!p1 [sflag:s7], $0x400;
	(pc) =	sbr.rel .LBB2_2-.Ltmp3, $4  }
0x7a: {  	p2 =	sgt.u32 s6, $0x4E1FF;
	[sflag:s7] =	ssyncset.done @!p1 $0x0  }
0x7b: {  	s6 =	simm.s32 @!p2 $0x0;
	[sflag:s7] =	ssyncadd.s32 @!p1 $0xFFFFFC00;
	s7 =	simm.s32 @!p2 $0x2800  }
0x7c: {  	[tilespmem:s7], [sflag:$0x1] =	stream.linear.gather @!p2 [hbm4b:s17+s6], $0x800, $0x38;
	[tilespmem:$0x7740] =	vst v63  }
0x7d: {  	s31 =	sadd.s32 $0x100, s31;
	s1 =	sadd.s32 $0x100, s1;
	s17 =	sadd.s32 $0x200, s17  }
.LBB2_5:
0x7e: {  	_ =	sfence.sel $0x180000  }
0x7f: {  	[bflag:$0x0] =	sbarrier.arrive $0xFFFF  }
0x80: {  	_ =	strace $0x9000004A  }
0x81: {  	s0 =	stileid.u32;
	[bflag:$0x2] =	sbarrier.arrive $0xFFFF  }
0x82: {  	p0 =	sne.s32 s0, $0x0;
	s0 =	rddreg [dreg:$0x3]  }
0x83: {  	s0 =	sadd.s32 @!p0 $0x100000, s0  }
0x84: {  	[sflag:s0] =	ssyncadd.tile.s32 @!p0 $0x1;
	_ =	shalt  }
.Lfunc_end2:
_tile_overlayer_lowered:
.L_overlay_start_2:
0x85: {  	(tag) =	ssettag $0x2  }
0x86: {  	s0 =	rddreg [dreg:$0x0];
	s2 =	stileid.u32  }
0x87: {  	s1 =	rddreg [dreg:$0x1];
	p0 =	sne.s32 s2, $0x0  }
0x88: {  	s3 =	rddreg [dreg:$0x2];
	[bflag:$0x3] =	sbarrier.arrive $0xFFFF;
	s2 =	simm.s32 @!p0 $0x1C07  }
0x89: {  	[timem:s3], [sflag:s2] =	dma.local @!p0 [hbm:s0], s1  }
0x8a: {  	s0 =	simm.s32 @!p0 $0x7  }
0x8b: {  	_ =	swait.ge @!p0 [sflag:s0], s1  }
0x8c: {  	s1 =	ssub.s32 @!p0 $0x0, s1;
	[sflag:s0] =	ssyncset.done @!p0 $0x0  }
0x8d: {  	[sflag:s0] =	ssyncadd.s32 @!p0 s1  }
0x8e: {  	[bflag:$0x3] =	sbarrier.arrive $0xFFFF  }
0x8f: {  	_ =	shalt  }

</sc_bundles>
